<compile_context>
chip_gen: v7x
topology: tpu7x:2x2x1
jax: 0.10.2.dev20260603
libtpu: 0.0.44.dev20260713+nightly
codegen_flags: <defaults>
</compile_context>

<pallas_src>
import functools

import jax
import jax.numpy as jnp
from jax import lax
from jax.experimental import pallas as pl
from jax.experimental.pallas import tpu as pltpu
from jax.experimental.pallas import tpu_sc as plsc

N, L, H = 1024, 50, 128
NUM_NODES, NUM_EDGES = 20480, 81920
GIN_IN, GIN_HID = 20, 16
LN_EPS = 1e-12

_NTILES = 16
_EPT = NUM_EDGES // _NTILES
_ECH = _EPT // 128
_NPT = NUM_NODES // _NTILES
_NCH = _NPT // 128
_GPT = N // _NTILES


def _mm_body(xt_ref, w_ref, o_ref):
    o_ref[...] = lax.dot_general(xt_ref[...], w_ref[...],
                                 (((0,), (0,)), ((), ())),
                                 preferred_element_type=jnp.float32)


def _node_matmul(node_feat_t, w1):
    blk = 2048
    return pl.pallas_call(
        _mm_body,
        grid=(NUM_NODES // blk,),
        in_specs=[
            pl.BlockSpec((GIN_IN, blk), lambda i: (0, i)),
            pl.BlockSpec((GIN_IN, GIN_HID), lambda i: (0, 0)),
        ],
        out_specs=pl.BlockSpec((blk, GIN_HID), lambda i: (i, 0)),
        out_shape=jax.ShapeDtypeStruct((NUM_NODES, GIN_HID), jnp.float32),
    )(node_feat_t, w1)


def _gin_sc_body(p0_hbm, ed_hbm, gid_hbm, b1_hbm, gout_hbm,
                 ed_v, rows4, p_v, agg_v, gid_v, b1_v,
                 agg_sh, g_sh, sem_g, sem_s, sem_p):
    c = lax.axis_index("c")
    s = lax.axis_index("s")
    nbase = s * _NPT

    pltpu.async_copy(p0_hbm.at[pl.ds(nbase, _NPT)], p_v, sem_p)
    pltpu.sync_copy(ed_hbm.at[s], ed_v)
    pltpu.sync_copy(gid_hbm.at[s], gid_v)
    pltpu.sync_copy(b1_hbm, b1_v)

    def zrow(i, _):
        rows4[0, i, :] = jnp.zeros((16,), jnp.float32)
        return 0
    lax.fori_loop(0, 128, zrow, 0)

    def zcp(k, _):
        pltpu.sync_copy(rows4.at[0], agg_sh.at[pl.ds(nbase + k * 128, 128)])
        return 0
    lax.fori_loop(0, _NCH, zcp, 0)
    pltpu.sync_copy(rows4.at[0, pl.ds(0, _GPT)], g_sh.at[pl.ds(s * _GPT, _GPT)])
    plsc.subcore_barrier()

    for k in range(4):
        pltpu.async_copy(p0_hbm.at[ed_v.at[k, 0]], rows4.at[k], sem_g)

    def equad(jj, _):
        for k in range(4):
            j = 4 * jj + k
            pltpu.make_async_copy(p0_hbm.at[ed_v.at[j, 0]], rows4.at[k],
                                  sem_g).wait()
            pltpu.async_copy(rows4.at[k], agg_sh.at[ed_v.at[j, 1]], sem_s,
                             add=True)
        for k in range(4):
            pltpu.make_async_copy(rows4.at[k], agg_sh.at[ed_v.at[0, 1]],
                                  sem_s).wait()

            @pl.when(jj < _ECH // 4 - 1)
            def _():
                pltpu.async_copy(p0_hbm.at[ed_v.at[4 * jj + 4 + k, 0]],
                                 rows4.at[k], sem_g)
        return 0
    lax.fori_loop(0, _ECH // 4, equad, 0)
    plsc.subcore_barrier()

    pltpu.make_async_copy(p0_hbm.at[pl.ds(nbase, _NPT)], p_v, sem_p).wait()
    pltpu.sync_copy(agg_sh.at[pl.ds(nbase, _NPT)], agg_v)
    b1vec = b1_v[...]

    @plsc.parallel_loop(0, _NPT, 1, unroll=8)
    def hrow(i):
        p_v[i, :] = jnp.maximum(p_v[i, :] + agg_v[i, :] + b1vec, 0.0)

    def gfire(j, _):
        pltpu.async_copy(p_v.at[pl.ds(j * 128, 128)], g_sh.at[gid_v.at[j]],
                         sem_s, add=True)
        return 0
    lax.fori_loop(0, _NCH, gfire, 0)

    def gdrain(j, _):
        pltpu.make_async_copy(p_v.at[pl.ds(0, 128)], g_sh.at[gid_v.at[0]],
                              sem_s).wait()
        return 0
    lax.fori_loop(0, _NCH, gdrain, 0)
    plsc.subcore_barrier()

    pltpu.sync_copy(g_sh.at[pl.ds(s * _GPT, _GPT)], gout_hbm.at[c, pl.ds(s * _GPT, _GPT)])


@functools.lru_cache(maxsize=1)
def _make_gin_sc():
    return functools.partial(
        pl.kernel,
        out_type=jax.ShapeDtypeStruct((2, N, GIN_HID), jnp.float32),
        mesh=plsc.VectorSubcoreMesh(core_axis_name="c", subcore_axis_name="s"),
        compiler_params=pltpu.CompilerParams(use_tc_tiling_on_sc=False),
        scratch_types=[
            pltpu.VMEM((_ECH, 2, 128), jnp.int32),
            pltpu.VMEM((4, 128, GIN_HID), jnp.float32),
            pltpu.VMEM((_NPT, GIN_HID), jnp.float32),
            pltpu.VMEM((_NPT, GIN_HID), jnp.float32),
            pltpu.VMEM((_NCH, 128), jnp.int32),
            pltpu.VMEM((GIN_HID,), jnp.float32),
            pltpu.VMEM_SHARED((NUM_NODES, GIN_HID), jnp.float32),
            pltpu.VMEM_SHARED((N, GIN_HID), jnp.float32),
            pltpu.SemaphoreType.DMA,
            pltpu.SemaphoreType.DMA,
            pltpu.SemaphoreType.DMA,
        ],
    )(_gin_sc_body)


_BN = 64
_BF = _BN * L


_LP = 56
_BFP = _BN * _LP


def _embed_body(tokf_ref, decf_ref, chg_ref, gp_ref, w2_ref, b2_ref,
                tbl_ref, chemb_ref, pos_ref, gam_ref, bet_ref, o_ref):
    f32 = jnp.float32
    g = gp_ref[0] + gp_ref[1]
    gly = jnp.dot(g, w2_ref[...], preferred_element_type=f32) + b2_ref[...]

    chg = chg_ref[0]
    ioc = lax.broadcasted_iota(jnp.int32, (16, _BN), 0)
    onehot_c = (ioc == jnp.broadcast_to(chg, (16, _BN))).astype(f32)
    chg_emb = lax.dot_general(onehot_c, chemb_ref[...],
                              (((0,), (0,)), ((), ())),
                              preferred_element_type=f32)

    tokr = tokf_ref[0]
    decr = decf_ref[0]
    io48 = lax.broadcasted_iota(jnp.int32, (48, _BFP), 0)
    m2t = ((io48 == tokr).astype(f32) + ((io48 - 32) == decr).astype(f32))
    emb2 = lax.dot_general(m2t, tbl_ref[...], (((0,), (0,)), ((), ())),
                           preferred_element_type=f32)

    ones_row = jnp.ones((1, H), f32)
    maskrow = (decr == 5).astype(f32)
    maskmat = lax.dot_general(maskrow, ones_row, (((0,), (0,)), ((), ())),
                              preferred_element_type=f32)

    emb3 = (emb2.reshape(_BN, _LP, H) + chg_emb[:, None, :]
            + pos_ref[...][None, :, :]
            + maskmat.reshape(_BN, _LP, H) * gly[:, None, :])

    x = emb3.reshape(_BFP, H)
    ones_col = jnp.ones((H, 1), f32)
    s1 = jnp.dot(x, ones_col, preferred_element_type=f32)
    s2 = jnp.dot(x * x, ones_col, preferred_element_type=f32)
    mu = s1 * (1.0 / H)
    var = s2 * (1.0 / H) - mu * mu
    scale = lax.rsqrt(var + LN_EPS)
    scg = jnp.dot(scale, gam_ref[...], preferred_element_type=f32)
    off = jnp.dot(mu * scale, gam_ref[...], preferred_element_type=f32)
    res = x * scg - off + bet_ref[...]
    res3 = res.reshape(_BN, _LP, H)[:, :L, :]
    o_ref[...] = jnp.swapaxes(res3, 0, 1)


def _embed_ln(tokf, decf, chg3, g_part, w2, b2, tbl48, chemb16,
              pos56, gamma2, beta2):
    nblk = N // _BN
    return pl.pallas_call(
        _embed_body,
        grid=(nblk,),
        in_specs=[
            pl.BlockSpec((1, 1, _BFP), lambda i: (i, 0, 0)),
            pl.BlockSpec((1, 1, _BFP), lambda i: (i, 0, 0)),
            pl.BlockSpec((1, 1, _BN), lambda i: (i, 0, 0)),
            pl.BlockSpec((2, _BN, GIN_HID), lambda i: (0, i, 0)),
            pl.BlockSpec((GIN_HID, H), lambda i: (0, 0)),
            pl.BlockSpec((1, H), lambda i: (0, 0)),
            pl.BlockSpec((48, H), lambda i: (0, 0)),
            pl.BlockSpec((16, H), lambda i: (0, 0)),
            pl.BlockSpec((_LP, H), lambda i: (0, 0)),
            pl.BlockSpec((1, H), lambda i: (0, 0)),
            pl.BlockSpec((1, H), lambda i: (0, 0)),
        ],
        out_specs=pl.BlockSpec((L, _BN, H), lambda i: (0, i, 0)),
        out_shape=jax.ShapeDtypeStruct((L, N, H), jnp.float32),
    )(tokf, decf, chg3, g_part, w2, b2, tbl48, chemb16, pos56,
      gamma2, beta2)


def kernel(peptide_tokens, decoration, charge, node_feat, edge_index,
           node_graph_ids, pos_emb, charge_emb, a_emb, phos_emb,
           gin_W1, gin_b1, gin_W2, gin_b2, ln_gamma, ln_beta):
    f32 = jnp.float32
    p0 = _node_matmul(node_feat.T, gin_W1)

    ed = (edge_index.astype(jnp.int32).reshape(2, NUM_EDGES // 128, 128)
          .transpose(1, 0, 2).reshape(_NTILES, _ECH, 2, 128))
    gid2d = node_graph_ids.reshape(_NTILES, _NCH, 128).astype(jnp.int32)

    g_part = _make_gin_sc()(p0, ed, gid2d, gin_b1)

    tok_p = jnp.pad(peptide_tokens.astype(jnp.int32), ((0, 0), (0, _LP - L)))
    dec_p = jnp.pad(decoration.astype(jnp.int32), ((0, 0), (0, _LP - L)),
                    constant_values=-1)
    tokf = tok_p.reshape(N // _BN, 1, _BFP)
    decf = dec_p.reshape(N // _BN, 1, _BFP)
    chg3 = charge.reshape(N // _BN, 1, _BN).astype(jnp.int32)
    tbl48 = jnp.concatenate(
        [a_emb, jnp.zeros((2, H), f32), phos_emb, jnp.zeros((6, H), f32)], axis=0)
    chemb16 = jnp.pad(charge_emb, ((0, 6), (0, 0)))
    pos56 = jnp.pad(pos_emb[:L], ((0, _LP - L), (0, 0)))
    out = _embed_ln(tokf, decf, chg3, g_part, gin_W2,
                    gin_b2.reshape(1, H), tbl48, chemb16, pos56,
                    ln_gamma.reshape(1, H), ln_beta.reshape(1, H))
    return jnp.transpose(out, (1, 0, 2)).astype(f32)

# --- scband reference (transcript-rebuilt; emitter-appended) ---
"""Pipeline reference for scband-acid-bert-embeddings-24567212933884 (READ-ONLY COPY).

The authoritative reference and input builder live on the scoring server;
editing this copy changes nothing except your own understanding.
"""

import jax, jax.numpy as jnp
import numpy as np

N, L, H = 1024, 50, 128
NUM_NODES, NUM_EDGES = 20480, 81920
GIN_IN, GIN_HID = 20, 16
MAX_POS = 512
LN_EPS = 1e-12


def setup_inputs(seed: int = 0) -> dict:
    key = jax.random.key(seed)
    ks = jax.random.split(key, 16)
    peptide_tokens = jax.random.randint(ks[0], (N, L), 0, 30)
    decoration = jax.random.randint(ks[1], (N, L), 0, 10)
    charge = jax.random.randint(ks[2], (N,), 0, 10)
    node_feat = jax.random.normal(ks[3], (NUM_NODES, GIN_IN), dtype=jnp.float32)
    edge_index = jax.random.randint(ks[4], (2, NUM_EDGES), 0, NUM_NODES)
    node_graph_ids = jnp.sort(jax.random.randint(ks[5], (NUM_NODES,), 0, N))
    pos_emb = jax.random.normal(ks[6], (MAX_POS, H), dtype=jnp.float32) * 0.02
    charge_emb = jax.random.normal(ks[7], (10, H), dtype=jnp.float32) * 0.02
    charge_emb = charge_emb.at[0].set(0.0)  # padding_idx=0
    a_emb = jax.random.normal(ks[8], (30, H), dtype=jnp.float32) * 0.02
    a_emb = a_emb.at[0].set(0.0)  # padding_idx=0
    phos_emb = jax.random.normal(ks[9], (10, H), dtype=jnp.float32) * 0.02
    gin_W1 = jax.random.normal(ks[10], (GIN_IN, GIN_HID), dtype=jnp.float32) * (1.0 / np.sqrt(GIN_IN))
    gin_b1 = jnp.zeros((GIN_HID,), dtype=jnp.float32)
    gin_W2 = jax.random.normal(ks[11], (GIN_HID, H), dtype=jnp.float32) * (1.0 / np.sqrt(GIN_HID))
    gin_b2 = jnp.zeros((H,), dtype=jnp.float32)
    ln_gamma = jnp.ones((H,), dtype=jnp.float32)
    ln_beta = jnp.zeros((H,), dtype=jnp.float32)
    return {
        'peptide_tokens': peptide_tokens, 'decoration': decoration, 'charge': charge,
        'node_feat': node_feat, 'edge_index': edge_index, 'node_graph_ids': node_graph_ids,
        'pos_emb': pos_emb, 'charge_emb': charge_emb, 'a_emb': a_emb, 'phos_emb': phos_emb,
        'gin_W1': gin_W1, 'gin_b1': gin_b1, 'gin_W2': gin_W2, 'gin_b2': gin_b2,
        'ln_gamma': ln_gamma, 'ln_beta': ln_beta,
    }


def _gin(node_feat, edge_index, node_graph_ids, W1, b1, W2, b2):
    # GIN layer, eps=0: h_v = MLP((1+eps)*x_v + sum_{u in N(v)} x_u)
    src, dst = edge_index[0], edge_index[1]
    agg = jax.ops.segment_sum(node_feat[src], dst, num_segments=NUM_NODES)
    h = node_feat + agg
    h = jax.nn.relu(h @ W1 + b1)
    # sum-readout per graph -> global graph representation
    g = jax.ops.segment_sum(h, node_graph_ids, num_segments=N)
    return g @ W2 + b2  # [N, H]


def reference(peptide_tokens, decoration, charge, node_feat, edge_index, node_graph_ids,
              pos_emb, charge_emb, a_emb, phos_emb, gin_W1, gin_b1, gin_W2, gin_b2,
              ln_gamma, ln_beta):
    # charge embedding: charge.unsqueeze(1).expand(N, L) -> lookup
    charge_idx = jnp.broadcast_to(charge[:, None], (N, L))
    charge_embed = jnp.take(charge_emb, charge_idx, axis=0)  # [N, L, H]
    # glycan GIN branch (Ablation == 'GIN')
    gly = _gin(node_feat, edge_index, node_graph_ids, gin_W1, gin_b1, gin_W2, gin_b2)  # [N, H]
    gly_embedding = gly[:, None, :] * (decoration == 5)[:, :, None].astype(jnp.float32)  # [N, L, H]
    # phospho embedding (loc == True path)
    phos_embed = jnp.take(phos_emb, decoration, axis=0)  # [N, L, H]
    # amino-acid embedding
    inputs_embeds = jnp.take(a_emb, peptide_tokens, axis=0)  # [N, L, H]
    embeddings = inputs_embeds + phos_embed + charge_embed + gly_embedding
    # absolute position embeddings (position_ids = arange(L))
    position_ids = jnp.arange(L)
    embeddings = embeddings + jnp.take(pos_emb, position_ids, axis=0)[None, :, :]
    # LayerNorm
    mu = jnp.mean(embeddings, axis=-1, keepdims=True)
    var = jnp.mean((embeddings - mu) ** 2, axis=-1, keepdims=True)
    embeddings = (embeddings - mu) / jnp.sqrt(var + LN_EPS) * ln_gamma + ln_beta
    # dropout is identity in eval mode
    return embeddings

if __name__ == "__main__":
    import jax
    _d = setup_inputs()
    print(jax.jit(kernel)(*tuple(_d.values())))

</pallas_src>

<mosaic_0001>
#map = affine_map<(d0, d1) -> (0, 0)>
#map1 = affine_map<(d0, d1) -> (0, 0, 0, 0)>
#map2 = affine_map<(d0, d1) -> (0, 0, 0)>
#map3 = affine_map<(d0, d1) -> (0)>
module attributes {stable_mosaic.version = 14 : i64} {
  func.func @_gin_sc_body(%arg0: i32, %arg1: i32, %arg2: memref<20480x16xf32, #tpu.memory_space<hbm>>, %arg3: memref<16x40x2x128xi32, #tpu.memory_space<hbm>>, %arg4: memref<16x10x128xi32, #tpu.memory_space<hbm>>, %arg5: memref<16xf32, #tpu.memory_space<hbm>>, %arg6: memref<2x1024x16xf32, #tpu.memory_space<hbm>>, %arg7: memref<40x2x128xi32, #tpu.memory_space<vmem>>, %arg8: memref<4x128x16xf32, #tpu.memory_space<vmem>>, %arg9: memref<1280x16xf32, #tpu.memory_space<vmem>>, %arg10: memref<1280x16xf32, #tpu.memory_space<vmem>>, %arg11: memref<10x128xi32, #tpu.memory_space<vmem>>, %arg12: memref<16xf32, #tpu.memory_space<vmem>>, %arg13: memref<20480x16xf32, #tpu.memory_space<vmem_shared>>, %arg14: memref<1024x16xf32, #tpu.memory_space<vmem_shared>>, %arg15: memref<!tpu.dma_semaphore, #tpu.memory_space<semaphore_mem>>, %arg16: memref<!tpu.dma_semaphore, #tpu.memory_space<semaphore_mem>>, %arg17: memref<!tpu.dma_semaphore, #tpu.memory_space<semaphore_mem>>) attributes {dimension_semantics = [#tpu.dimension_semantics<core_parallel>, #tpu.dimension_semantics<subcore_parallel>], iteration_bounds = array<i64: 2, 16>, scalar_prefetch = 0 : i64, scratch_operands = 11 : i64, tpu.core_type = #tpu.core_type<sc_vector_subcore>, window_params = [{transform_indices = #map}, {transform_indices = #map1}, {transform_indices = #map2}, {transform_indices = #map3}, {transform_indices = #map2}]} {
    %mul3A = arith.constant 1280 : i32
    %mul3A_0 = arith.muli %arg1, %mul3A : i32
    %dma_start3A = arith.constant 0 : i32
    %dma_start3A_1 = tpu.memref_slice %arg2[%mul3A_0, %dma_start3A] : memref<20480x16xf32, #tpu.memory_space<hbm>> -> memref<1280x16xf32, #tpu.memory_space<hbm>>
    %dma_start3A_2 = arith.constant 0 : i32
    %dma_start3A_3 = tpu.memref_slice %arg2[%mul3A_0, %dma_start3A_2] : memref<20480x16xf32, #tpu.memory_space<hbm>> -> memref<1280x16xf32, #tpu.memory_space<hbm>>
    tpu.enqueue_dma source(%dma_start3A_3 : memref<1280x16xf32, #tpu.memory_space<hbm>>) target(%arg9 : memref<1280x16xf32, #tpu.memory_space<vmem>>) target_semaphore(%arg17 : memref<!tpu.dma_semaphore, #tpu.memory_space<semaphore_mem>>)
    "tpu.region"() ({
      %run_scoped3A_105 = tpu.sem_alloc : memref<!tpu.dma_semaphore, #tpu.memory_space<semaphore_mem>>
      %dma_start3A_106 = arith.constant 0 : i32
      %dma_start3A_107 = arith.constant 0 : i32
      %dma_start3A_108 = arith.constant 0 : i32
      %dma_start3A_109 = tpu.memref_slice %arg3[%arg1, %dma_start3A_106, %dma_start3A_107, %dma_start3A_108] : memref<16x40x2x128xi32, #tpu.memory_space<hbm>> -> memref<1x40x2x128xi32, #tpu.memory_space<hbm>>
      %dma_start3A_110 = tpu.memref_squeeze %dma_start3A_109 : memref<1x40x2x128xi32, #tpu.memory_space<hbm>> -> memref<40x2x128xi32, #tpu.memory_space<hbm>>
      %dma_start3A_111 = arith.constant 0 : i32
      %dma_start3A_112 = arith.constant 0 : i32
      %dma_start3A_113 = arith.constant 0 : i32
      %dma_start3A_114 = tpu.memref_slice %arg3[%arg1, %dma_start3A_111, %dma_start3A_112, %dma_start3A_113] : memref<16x40x2x128xi32, #tpu.memory_space<hbm>> -> memref<1x40x2x128xi32, #tpu.memory_space<hbm>>
      %dma_start3A_115 = tpu.memref_squeeze %dma_start3A_114 : memref<1x40x2x128xi32, #tpu.memory_space<hbm>> -> memref<40x2x128xi32, #tpu.memory_space<hbm>>
      tpu.enqueue_dma source(%dma_start3A_115 : memref<40x2x128xi32, #tpu.memory_space<hbm>>) target(%arg7 : memref<40x2x128xi32, #tpu.memory_space<vmem>>) target_semaphore(%run_scoped3A_105 : memref<!tpu.dma_semaphore, #tpu.memory_space<semaphore_mem>>)
      %dma_wait3A_116 = arith.constant 0 : i32
      %dma_wait3A_117 = arith.constant 0 : i32
      %dma_wait3A_118 = arith.constant 0 : i32
      %dma_wait3A_119 = tpu.memref_slice %arg3[%arg1, %dma_wait3A_116, %dma_wait3A_117, %dma_wait3A_118] : memref<16x40x2x128xi32, #tpu.memory_space<hbm>> -> memref<1x40x2x128xi32, #tpu.memory_space<hbm>>
      %dma_wait3A_120 = tpu.memref_squeeze %dma_wait3A_119 : memref<1x40x2x128xi32, #tpu.memory_space<hbm>> -> memref<40x2x128xi32, #tpu.memory_space<hbm>>
      %dma_wait3A_121 = arith.constant 0 : i32
      %dma_wait3A_122 = arith.constant 0 : i32
      %dma_wait3A_123 = arith.constant 0 : i32
      %dma_wait3A_124 = tpu.memref_slice %arg3[%arg1, %dma_wait3A_121, %dma_wait3A_122, %dma_wait3A_123] : memref<16x40x2x128xi32, #tpu.memory_space<hbm>> -> memref<1x40x2x128xi32, #tpu.memory_space<hbm>>
      %dma_wait3A_125 = tpu.memref_squeeze %dma_wait3A_124 : memref<1x40x2x128xi32, #tpu.memory_space<hbm>> -> memref<40x2x128xi32, #tpu.memory_space<hbm>>
      tpu.wait_dma2 semaphore(%run_scoped3A_105 : memref<!tpu.dma_semaphore, #tpu.memory_space<semaphore_mem>>) src(%dma_wait3A_125 : memref<40x2x128xi32, #tpu.memory_space<hbm>>) dst(%arg7 : memref<40x2x128xi32, #tpu.memory_space<vmem>>)
      tpu.yield
    }) : () -> ()
    "tpu.region"() ({
      %run_scoped3A_105 = tpu.sem_alloc : memref<!tpu.dma_semaphore, #tpu.memory_space<semaphore_mem>>
      %dma_start3A_106 = arith.constant 0 : i32
      %dma_start3A_107 = arith.constant 0 : i32
      %dma_start3A_108 = tpu.memref_slice %arg4[%arg1, %dma_start3A_106, %dma_start3A_107] : memref<16x10x128xi32, #tpu.memory_space<hbm>> -> memref<1x10x128xi32, #tpu.memory_space<hbm>>
      %dma_start3A_109 = tpu.memref_squeeze %dma_start3A_108 : memref<1x10x128xi32, #tpu.memory_space<hbm>> -> memref<10x128xi32, #tpu.memory_space<hbm>>
      %dma_start3A_110 = arith.constant 0 : i32
      %dma_start3A_111 = arith.constant 0 : i32
      %dma_start3A_112 = tpu.memref_slice %arg4[%arg1, %dma_start3A_110, %dma_start3A_111] : memref<16x10x128xi32, #tpu.memory_space<hbm>> -> memref<1x10x128xi32, #tpu.memory_space<hbm>>
      %dma_start3A_113 = tpu.memref_squeeze %dma_start3A_112 : memref<1x10x128xi32, #tpu.memory_space<hbm>> -> memref<10x128xi32, #tpu.memory_space<hbm>>
      tpu.enqueue_dma source(%dma_start3A_113 : memref<10x128xi32, #tpu.memory_space<hbm>>) target(%arg11 : memref<10x128xi32, #tpu.memory_space<vmem>>) target_semaphore(%run_scoped3A_105 : memref<!tpu.dma_semaphore, #tpu.memory_space<semaphore_mem>>)
      %dma_wait3A_114 = arith.constant 0 : i32
      %dma_wait3A_115 = arith.constant 0 : i32
      %dma_wait3A_116 = tpu.memref_slice %arg4[%arg1, %dma_wait3A_114, %dma_wait3A_115] : memref<16x10x128xi32, #tpu.memory_space<hbm>> -> memref<1x10x128xi32, #tpu.memory_space<hbm>>
      %dma_wait3A_117 = tpu.memref_squeeze %dma_wait3A_116 : memref<1x10x128xi32, #tpu.memory_space<hbm>> -> memref<10x128xi32, #tpu.memory_space<hbm>>
      %dma_wait3A_118 = arith.constant 0 : i32
      %dma_wait3A_119 = arith.constant 0 : i32
      %dma_wait3A_120 = tpu.memref_slice %arg4[%arg1, %dma_wait3A_118, %dma_wait3A_119] : memref<16x10x128xi32, #tpu.memory_space<hbm>> -> memref<1x10x128xi32, #tpu.memory_space<hbm>>
      %dma_wait3A_121 = tpu.memref_squeeze %dma_wait3A_120 : memref<1x10x128xi32, #tpu.memory_space<hbm>> -> memref<10x128xi32, #tpu.memory_space<hbm>>
      tpu.wait_dma2 semaphore(%run_scoped3A_105 : memref<!tpu.dma_semaphore, #tpu.memory_space<semaphore_mem>>) src(%dma_wait3A_121 : memref<10x128xi32, #tpu.memory_space<hbm>>) dst(%arg11 : memref<10x128xi32, #tpu.memory_space<vmem>>)
      tpu.yield
    }) : () -> ()
    "tpu.region"() ({
      %run_scoped3A_105 = tpu.sem_alloc : memref<!tpu.dma_semaphore, #tpu.memory_space<semaphore_mem>>
      tpu.enqueue_dma source(%arg5 : memref<16xf32, #tpu.memory_space<hbm>>) target(%arg12 : memref<16xf32, #tpu.memory_space<vmem>>) target_semaphore(%run_scoped3A_105 : memref<!tpu.dma_semaphore, #tpu.memory_space<semaphore_mem>>)
      tpu.wait_dma2 semaphore(%run_scoped3A_105 : memref<!tpu.dma_semaphore, #tpu.memory_space<semaphore_mem>>) src(%arg5 : memref<16xf32, #tpu.memory_space<hbm>>) dst(%arg12 : memref<16xf32, #tpu.memory_space<vmem>>)
      tpu.yield
    }) : () -> ()
    %scan3A = arith.constant 0 : i32
    %scan3A_4 = arith.constant 0 : i32
    %scan3A_5 = arith.constant 128 : i32
    %scan3A_6 = arith.addi %scan3A_4, %scan3A_5 : i32
    %scan3A_7 = arith.constant 1 : i32
    %scan3A_8 = scf.for %scan3A_105 = %scan3A_4 to %scan3A_6 step %scan3A_7 iter_args(%scan3A_106 = %scan3A) -> (i32)  : i32 {
      %broadcast_in_dim3A = arith.constant 0.000000e+00 : f32
      %broadcast_in_dim3A_107 = vector.broadcast %broadcast_in_dim3A : f32 to vector<16xf32>
      %swap3A = arith.constant 0 : i32
      %swap3A_108 = arith.index_cast %swap3A : i32 to index
      %swap3A_109 = arith.index_cast %scan3A_105 : i32 to index
      %swap3A_110 = arith.constant 0 : index
      %swap3A_111 = tpu.vector_load %arg8[%swap3A_108, %swap3A_109, %swap3A_110] {strides = array<i32>} : memref<4x128x16xf32, #tpu.memory_space<vmem>>, vector<1x1x16xf32>,
      %swap3A_112 = vector.shape_cast %swap3A_111 : vector<1x1x16xf32> to vector<16xf32>
      %swap3A_113 = vector.shape_cast %broadcast_in_dim3A_107 : vector<16xf32> to vector<1x1x16xf32>
      tpu.vector_store %arg8[%swap3A_108, %swap3A_109, %swap3A_110], %swap3A_113 {strides = array<i32>} : memref<4x128x16xf32, #tpu.memory_space<vmem>>, vector<1x1x16xf32>,
      %scan3A_114 = arith.constant 0 : i32
      scf.yield %scan3A_114 : i32
    }
    %scan3A_9 = arith.constant 128 : i32
    %scan3A_10 = arith.constant 0 : i32
    %scan3A_11 = arith.constant 0 : i32
    %scan3A_12 = arith.constant 10 : i32
    %scan3A_13 = arith.addi %scan3A_11, %scan3A_12 : i32
    %scan3A_14 = arith.constant 1 : i32
    %scan3A_15 = scf.for %scan3A_105 = %scan3A_11 to %scan3A_13 step %scan3A_14 iter_args(%scan3A_106 = %scan3A_10) -> (i32)  : i32 {
      %mul3A_107 = arith.constant 128 : i32
      %mul3A_108 = arith.muli %scan3A_105, %mul3A_107 : i32
      %add3A = arith.addi %mul3A_0, %mul3A_108 : i32
      %run_scoped3A_109 = arith.constant 0 : i32
      "tpu.region"() ({
        %run_scoped3A_111 = tpu.sem_alloc : memref<!tpu.dma_semaphore, #tpu.memory_space<semaphore_mem>>
        %dma_start3A_112 = arith.constant 0 : i32
        %dma_start3A_113 = arith.constant 0 : i32
        %dma_start3A_114 = tpu.memref_slice %arg8[%run_scoped3A_109, %dma_start3A_112, %dma_start3A_113] : memref<4x128x16xf32, #tpu.memory_space<vmem>> -> memref<1x128x16xf32, #tpu.memory_space<vmem>>
        %dma_start3A_115 = tpu.memref_squeeze %dma_start3A_114 : memref<1x128x16xf32, #tpu.memory_space<vmem>> -> memref<128x16xf32, #tpu.memory_space<vmem>>
        %dma_start3A_116 = arith.constant 0 : i32
        %dma_start3A_117 = tpu.memref_slice %arg13[%add3A, %dma_start3A_116] : memref<20480x16xf32, #tpu.memory_space<vmem_shared>> -> memref<128x16xf32, #tpu.memory_space<vmem_shared>>
        %dma_start3A_118 = arith.constant 0 : i32
        %dma_start3A_119 = tpu.memref_slice %arg13[%add3A, %dma_start3A_118] : memref<20480x16xf32, #tpu.memory_space<vmem_shared>> -> memref<128x16xf32, #tpu.memory_space<vmem_shared>>
        %dma_start3A_120 = arith.constant 0 : i32
        %dma_start3A_121 = arith.constant 0 : i32
        %dma_start3A_122 = tpu.memref_slice %arg8[%run_scoped3A_109, %dma_start3A_120, %dma_start3A_121] : memref<4x128x16xf32, #tpu.memory_space<vmem>> -> memref<1x128x16xf32, #tpu.memory_space<vmem>>
        %dma_start3A_123 = tpu.memref_squeeze %dma_start3A_122 : memref<1x128x16xf32, #tpu.memory_space<vmem>> -> memref<128x16xf32, #tpu.memory_space<vmem>>
        tpu.enqueue_dma source(%dma_start3A_123 : memref<128x16xf32, #tpu.memory_space<vmem>>) target(%dma_start3A_119 : memref<128x16xf32, #tpu.memory_space<vmem_shared>>) target_semaphore(%run_scoped3A_111 : memref<!tpu.dma_semaphore, #tpu.memory_space<semaphore_mem>>)
        %dma_wait3A_124 = arith.constant 0 : i32
        %dma_wait3A_125 = arith.constant 0 : i32
        %dma_wait3A_126 = tpu.memref_slice %arg8[%run_scoped3A_109, %dma_wait3A_124, %dma_wait3A_125] : memref<4x128x16xf32, #tpu.memory_space<vmem>> -> memref<1x128x16xf32, #tpu.memory_space<vmem>>
        %dma_wait3A_127 = tpu.memref_squeeze %dma_wait3A_126 : memref<1x128x16xf32, #tpu.memory_space<vmem>> -> memref<128x16xf32, #tpu.memory_space<vmem>>
        %dma_wait3A_128 = arith.constant 0 : i32
        %dma_wait3A_129 = tpu.memref_slice %arg13[%add3A, %dma_wait3A_128] : memref<20480x16xf32, #tpu.memory_space<vmem_shared>> -> memref<128x16xf32, #tpu.memory_space<vmem_shared>>
        %dma_wait3A_130 = arith.constant 0 : i32
        %dma_wait3A_131 = tpu.memref_slice %arg13[%add3A, %dma_wait3A_130] : memref<20480x16xf32, #tpu.memory_space<vmem_shared>> -> memref<128x16xf32, #tpu.memory_space<vmem_shared>>
        %dma_wait3A_132 = arith.constant 0 : i32
        %dma_wait3A_133 = arith.constant 0 : i32
        %dma_wait3A_134 = tpu.memref_slice %arg8[%run_scoped3A_109, %dma_wait3A_132, %dma_wait3A_133] : memref<4x128x16xf32, #tpu.memory_space<vmem>> -> memref<1x128x16xf32, #tpu.memory_space<vmem>>
        %dma_wait3A_135 = tpu.memref_squeeze %dma_wait3A_134 : memref<1x128x16xf32, #tpu.memory_space<vmem>> -> memref<128x16xf32, #tpu.memory_space<vmem>>
        tpu.wait_dma2 semaphore(%run_scoped3A_111 : memref<!tpu.dma_semaphore, #tpu.memory_space<semaphore_mem>>) src(%dma_wait3A_135 : memref<128x16xf32, #tpu.memory_space<vmem>>) dst(%dma_wait3A_131 : memref<128x16xf32, #tpu.memory_space<vmem_shared>>)
        tpu.yield
      }) : () -> ()
      %scan3A_110 = arith.constant 0 : i32
      scf.yield %scan3A_110 : i32
    }
    %scan3A_16 = arith.constant 10 : i32
    %mul3A_17 = arith.constant 64 : i32
    %mul3A_18 = arith.muli %arg1, %mul3A_17 : i32
    %run_scoped3A = arith.constant 0 : i32
    "tpu.region"() ({
      %run_scoped3A_105 = tpu.sem_alloc : memref<!tpu.dma_semaphore, #tpu.memory_space<semaphore_mem>>
      %dma_start3A_106 = arith.constant 0 : i32
      %dma_start3A_107 = arith.constant 0 : i32
      %dma_start3A_108 = tpu.memref_slice %arg8[%run_scoped3A, %dma_start3A_106, %dma_start3A_107] : memref<4x128x16xf32, #tpu.memory_space<vmem>> -> memref<1x64x16xf32, #tpu.memory_space<vmem>>
      %dma_start3A_109 = tpu.memref_squeeze %dma_start3A_108 : memref<1x64x16xf32, #tpu.memory_space<vmem>> -> memref<64x16xf32, #tpu.memory_space<vmem>>
      %dma_start3A_110 = arith.constant 0 : i32
      %dma_start3A_111 = tpu.memref_slice %arg14[%mul3A_18, %dma_start3A_110] : memref<1024x16xf32, #tpu.memory_space<vmem_shared>> -> memref<64x16xf32, #tpu.memory_space<vmem_shared>>
      %dma_start3A_112 = arith.constant 0 : i32
      %dma_start3A_113 = tpu.memref_slice %arg14[%mul3A_18, %dma_start3A_112] : memref<1024x16xf32, #tpu.memory_space<vmem_shared>> -> memref<64x16xf32, #tpu.memory_space<vmem_shared>>
      %dma_start3A_114 = arith.constant 0 : i32
      %dma_start3A_115 = arith.constant 0 : i32
      %dma_start3A_116 = tpu.memref_slice %arg8[%run_scoped3A, %dma_start3A_114, %dma_start3A_115] : memref<4x128x16xf32, #tpu.memory_space<vmem>> -> memref<1x64x16xf32, #tpu.memory_space<vmem>>
      %dma_start3A_117 = tpu.memref_squeeze %dma_start3A_116 : memref<1x64x16xf32, #tpu.memory_space<vmem>> -> memref<64x16xf32, #tpu.memory_space<vmem>>
      tpu.enqueue_dma source(%dma_start3A_117 : memref<64x16xf32, #tpu.memory_space<vmem>>) target(%dma_start3A_113 : memref<64x16xf32, #tpu.memory_space<vmem_shared>>) target_semaphore(%run_scoped3A_105 : memref<!tpu.dma_semaphore, #tpu.memory_space<semaphore_mem>>)
      %dma_wait3A_118 = arith.constant 0 : i32
      %dma_wait3A_119 = arith.constant 0 : i32
      %dma_wait3A_120 = tpu.memref_slice %arg8[%run_scoped3A, %dma_wait3A_118, %dma_wait3A_119] : memref<4x128x16xf32, #tpu.memory_space<vmem>> -> memref<1x64x16xf32, #tpu.memory_space<vmem>>
      %dma_wait3A_121 = tpu.memref_squeeze %dma_wait3A_120 : memref<1x64x16xf32, #tpu.memory_space<vmem>> -> memref<64x16xf32, #tpu.memory_space<vmem>>
      %dma_wait3A_122 = arith.constant 0 : i32
      %dma_wait3A_123 = tpu.memref_slice %arg14[%mul3A_18, %dma_wait3A_122] : memref<1024x16xf32, #tpu.memory_space<vmem_shared>> -> memref<64x16xf32, #tpu.memory_space<vmem_shared>>
      %dma_wait3A_124 = arith.constant 0 : i32
      %dma_wait3A_125 = tpu.memref_slice %arg14[%mul3A_18, %dma_wait3A_124] : memref<1024x16xf32, #tpu.memory_space<vmem_shared>> -> memref<64x16xf32, #tpu.memory_space<vmem_shared>>
      %dma_wait3A_126 = arith.constant 0 : i32
      %dma_wait3A_127 = arith.constant 0 : i32
      %dma_wait3A_128 = tpu.memref_slice %arg8[%run_scoped3A, %dma_wait3A_126, %dma_wait3A_127] : memref<4x128x16xf32, #tpu.memory_space<vmem>> -> memref<1x64x16xf32, #tpu.memory_space<vmem>>
      %dma_wait3A_129 = tpu.memref_squeeze %dma_wait3A_128 : memref<1x64x16xf32, #tpu.memory_space<vmem>> -> memref<64x16xf32, #tpu.memory_space<vmem>>
      tpu.wait_dma2 semaphore(%run_scoped3A_105 : memref<!tpu.dma_semaphore, #tpu.memory_space<semaphore_mem>>) src(%dma_wait3A_129 : memref<64x16xf32, #tpu.memory_space<vmem>>) dst(%dma_wait3A_125 : memref<64x16xf32, #tpu.memory_space<vmem_shared>>)
      tpu.yield
    }) : () -> ()
    %barrier3A = arith.constant 0 : index
    tpu.barrier barrier_id(%barrier3A)
    %dma_start3A_19 = arith.constant 0 : i32
    %dma_start3A_20 = arith.constant 0 : i32
    %dma_start3A_21 = arith.constant 0 : i32
    %dma_start3A_22 = arith.constant 0 : i32
    %dma_start3A_23 = arith.constant 0 : i32
    %dma_start3A_24 = tpu.memref_slice %arg8[%dma_start3A_21, %dma_start3A_22, %dma_start3A_23] : memref<4x128x16xf32, #tpu.memory_space<vmem>> -> memref<1x128x16xf32, #tpu.memory_space<vmem>>
    %dma_start3A_25 = tpu.memref_squeeze %dma_start3A_24 : memref<1x128x16xf32, #tpu.memory_space<vmem>> -> memref<128x16xf32, #tpu.memory_space<vmem>>
    %dma_start3A_26 = arith.constant 0 : i32
    %dma_start3A_27 = tpu.memref_slice %arg7[%dma_start3A_19, %dma_start3A_20, %dma_start3A_26] : memref<40x2x128xi32, #tpu.memory_space<vmem>> -> memref<1x1x128xi32, #tpu.memory_space<vmem>>
    %dma_start3A_28 = tpu.memref_squeeze %dma_start3A_27 : memref<1x1x128xi32, #tpu.memory_space<vmem>> -> memref<128xi32, #tpu.memory_space<vmem>>
    %dma_start3A_29 = arith.constant 0 : i32
    %dma_start3A_30 = arith.constant 0 : i32
    %dma_start3A_31 = tpu.memref_slice %arg2[%dma_start3A_29, %dma_start3A_30] : memref<20480x16xf32, #tpu.memory_space<hbm>> -> memref<20480x16xf32, #tpu.memory_space<hbm>>
    tpu.enqueue_indirect_dma source(%dma_start3A_31 : memref<20480x16xf32, #tpu.memory_space<hbm>>) target(%dma_start3A_25 : memref<128x16xf32, #tpu.memory_space<vmem>>) offsets(%dma_start3A_28 : memref<128xi32, #tpu.memory_space<vmem>>) semaphore(%arg15 : memref<!tpu.dma_semaphore, #tpu.memory_space<semaphore_mem>>)
    %dma_start3A_32 = arith.constant 1 : i32
    %dma_start3A_33 = arith.constant 0 : i32
    %dma_start3A_34 = arith.constant 1 : i32
    %dma_start3A_35 = arith.constant 0 : i32
    %dma_start3A_36 = arith.constant 0 : i32
    %dma_start3A_37 = tpu.memref_slice %arg8[%dma_start3A_34, %dma_start3A_35, %dma_start3A_36] : memref<4x128x16xf32, #tpu.memory_space<vmem>> -> memref<1x128x16xf32, #tpu.memory_space<vmem>>
    %dma_start3A_38 = tpu.memref_squeeze %dma_start3A_37 : memref<1x128x16xf32, #tpu.memory_space<vmem>> -> memref<128x16xf32, #tpu.memory_space<vmem>>
    %dma_start3A_39 = arith.constant 0 : i32
    %dma_start3A_40 = tpu.memref_slice %arg7[%dma_start3A_32, %dma_start3A_33, %dma_start3A_39] : memref<40x2x128xi32, #tpu.memory_space<vmem>> -> memref<1x1x128xi32, #tpu.memory_space<vmem>>
    %dma_start3A_41 = tpu.memref_squeeze %dma_start3A_40 : memref<1x1x128xi32, #tpu.memory_space<vmem>> -> memref<128xi32, #tpu.memory_space<vmem>>
    %dma_start3A_42 = arith.constant 0 : i32
    %dma_start3A_43 = arith.constant 0 : i32
    %dma_start3A_44 = tpu.memref_slice %arg2[%dma_start3A_42, %dma_start3A_43] : memref<20480x16xf32, #tpu.memory_space<hbm>> -> memref<20480x16xf32, #tpu.memory_space<hbm>>
    tpu.enqueue_indirect_dma source(%dma_start3A_44 : memref<20480x16xf32, #tpu.memory_space<hbm>>) target(%dma_start3A_38 : memref<128x16xf32, #tpu.memory_space<vmem>>) offsets(%dma_start3A_41 : memref<128xi32, #tpu.memory_space<vmem>>) semaphore(%arg15 : memref<!tpu.dma_semaphore, #tpu.memory_space<semaphore_mem>>)
    %dma_start3A_45 = arith.constant 2 : i32
    %dma_start3A_46 = arith.constant 0 : i32
    %dma_start3A_47 = arith.constant 2 : i32
    %dma_start3A_48 = arith.constant 0 : i32
    %dma_start3A_49 = arith.constant 0 : i32
    %dma_start3A_50 = tpu.memref_slice %arg8[%dma_start3A_47, %dma_start3A_48, %dma_start3A_49] : memref<4x128x16xf32, #tpu.memory_space<vmem>> -> memref<1x128x16xf32, #tpu.memory_space<vmem>>
    %dma_start3A_51 = tpu.memref_squeeze %dma_start3A_50 : memref<1x128x16xf32, #tpu.memory_space<vmem>> -> memref<128x16xf32, #tpu.memory_space<vmem>>
    %dma_start3A_52 = arith.constant 0 : i32
    %dma_start3A_53 = tpu.memref_slice %arg7[%dma_start3A_45, %dma_start3A_46, %dma_start3A_52] : memref<40x2x128xi32, #tpu.memory_space<vmem>> -> memref<1x1x128xi32, #tpu.memory_space<vmem>>
    %dma_start3A_54 = tpu.memref_squeeze %dma_start3A_53 : memref<1x1x128xi32, #tpu.memory_space<vmem>> -> memref<128xi32, #tpu.memory_space<vmem>>
    %dma_start3A_55 = arith.constant 0 : i32
    %dma_start3A_56 = arith.constant 0 : i32
    %dma_start3A_57 = tpu.memref_slice %arg2[%dma_start3A_55, %dma_start3A_56] : memref<20480x16xf32, #tpu.memory_space<hbm>> -> memref<20480x16xf32, #tpu.memory_space<hbm>>
    tpu.enqueue_indirect_dma source(%dma_start3A_57 : memref<20480x16xf32, #tpu.memory_space<hbm>>) target(%dma_start3A_51 : memref<128x16xf32, #tpu.memory_space<vmem>>) offsets(%dma_start3A_54 : memref<128xi32, #tpu.memory_space<vmem>>) semaphore(%arg15 : memref<!tpu.dma_semaphore, #tpu.memory_space<semaphore_mem>>)
    %dma_start3A_58 = arith.constant 3 : i32
    %dma_start3A_59 = arith.constant 0 : i32
    %dma_start3A_60 = arith.constant 3 : i32
    %dma_start3A_61 = arith.constant 0 : i32
    %dma_start3A_62 = arith.constant 0 : i32
    %dma_start3A_63 = tpu.memref_slice %arg8[%dma_start3A_60, %dma_start3A_61, %dma_start3A_62] : memref<4x128x16xf32, #tpu.memory_space<vmem>> -> memref<1x128x16xf32, #tpu.memory_space<vmem>>
    %dma_start3A_64 = tpu.memref_squeeze %dma_start3A_63 : memref<1x128x16xf32, #tpu.memory_space<vmem>> -> memref<128x16xf32, #tpu.memory_space<vmem>>
    %dma_start3A_65 = arith.constant 0 : i32
    %dma_start3A_66 = tpu.memref_slice %arg7[%dma_start3A_58, %dma_start3A_59, %dma_start3A_65] : memref<40x2x128xi32, #tpu.memory_space<vmem>> -> memref<1x1x128xi32, #tpu.memory_space<vmem>>
    %dma_start3A_67 = tpu.memref_squeeze %dma_start3A_66 : memref<1x1x128xi32, #tpu.memory_space<vmem>> -> memref<128xi32, #tpu.memory_space<vmem>>
    %dma_start3A_68 = arith.constant 0 : i32
    %dma_start3A_69 = arith.constant 0 : i32
    %dma_start3A_70 = tpu.memref_slice %arg2[%dma_start3A_68, %dma_start3A_69] : memref<20480x16xf32, #tpu.memory_space<hbm>> -> memref<20480x16xf32, #tpu.memory_space<hbm>>
    tpu.enqueue_indirect_dma source(%dma_start3A_70 : memref<20480x16xf32, #tpu.memory_space<hbm>>) target(%dma_start3A_64 : memref<128x16xf32, #tpu.memory_space<vmem>>) offsets(%dma_start3A_67 : memref<128xi32, #tpu.memory_space<vmem>>) semaphore(%arg15 : memref<!tpu.dma_semaphore, #tpu.memory_space<semaphore_mem>>)
    %scan3A_71 = arith.constant 0 : i32
    %scan3A_72 = arith.constant 0 : i32
    %scan3A_73 = arith.constant 10 : i32
    %scan3A_74 = arith.addi %scan3A_72, %scan3A_73 : i32
    %scan3A_75 = arith.constant 1 : i32
    %scan3A_76 = scf.for %scan3A_105 = %scan3A_72 to %scan3A_74 step %scan3A_75 iter_args(%scan3A_106 = %scan3A_71) -> (i32)  : i32 {
      %mul3A_107 = arith.constant 4 : i32
      %mul3A_108 = arith.muli %mul3A_107, %scan3A_105 : i32
      %add3A = arith.constant 0 : i32
      %add3A_109 = arith.addi %mul3A_108, %add3A : i32
      %dma_wait3A_110 = arith.constant 0 : i32
      %dma_wait3A_111 = arith.constant 0 : i32
      %dma_wait3A_112 = arith.constant 0 : i32
      %dma_wait3A_113 = arith.constant 0 : i32
      %dma_wait3A_114 = tpu.memref_slice %arg8[%dma_wait3A_111, %dma_wait3A_112, %dma_wait3A_113] : memref<4x128x16xf32, #tpu.memory_space<vmem>> -> memref<1x128x16xf32, #tpu.memory_space<vmem>>
      %dma_wait3A_115 = tpu.memref_squeeze %dma_wait3A_114 : memref<1x128x16xf32, #tpu.memory_space<vmem>> -> memref<128x16xf32, #tpu.memory_space<vmem>>
      %dma_wait3A_116 = arith.constant 0 : i32
      %dma_wait3A_117 = tpu.memref_slice %arg7[%add3A_109, %dma_wait3A_110, %dma_wait3A_116] : memref<40x2x128xi32, #tpu.memory_space<vmem>> -> memref<1x1x128xi32, #tpu.memory_space<vmem>>
      %dma_wait3A_118 = tpu.memref_squeeze %dma_wait3A_117 : memref<1x1x128xi32, #tpu.memory_space<vmem>> -> memref<128xi32, #tpu.memory_space<vmem>>
      %dma_wait3A_119 = arith.constant 0 : i32
      %dma_wait3A_120 = arith.constant 0 : i32
      %dma_wait3A_121 = tpu.memref_slice %arg2[%dma_wait3A_119, %dma_wait3A_120] : memref<20480x16xf32, #tpu.memory_space<hbm>> -> memref<20480x16xf32, #tpu.memory_space<hbm>>
      tpu.wait_indirect_dma semaphore(%arg15 : memref<!tpu.dma_semaphore, #tpu.memory_space<semaphore_mem>>) src(%dma_wait3A_121 : memref<20480x16xf32, #tpu.memory_space<hbm>>) dst(%dma_wait3A_115 : memref<128x16xf32, #tpu.memory_space<vmem>>)
      %dma_start3A_122 = arith.constant 0 : i32
      %dma_start3A_123 = arith.constant 1 : i32
      %dma_start3A_124 = arith.constant 0 : i32
      %dma_start3A_125 = arith.constant 0 : i32
      %dma_start3A_126 = tpu.memref_slice %arg8[%dma_start3A_122, %dma_start3A_124, %dma_start3A_125] : memref<4x128x16xf32, #tpu.memory_space<vmem>> -> memref<1x128x16xf32, #tpu.memory_space<vmem>>
      %dma_start3A_127 = tpu.memref_squeeze %dma_start3A_126 : memref<1x128x16xf32, #tpu.memory_space<vmem>> -> memref<128x16xf32, #tpu.memory_space<vmem>>
      %dma_start3A_128 = arith.constant 0 : i32
      %dma_start3A_129 = tpu.memref_slice %arg7[%add3A_109, %dma_start3A_123, %dma_start3A_128] : memref<40x2x128xi32, #tpu.memory_space<vmem>> -> memref<1x1x128xi32, #tpu.memory_space<vmem>>
      %dma_start3A_130 = tpu.memref_squeeze %dma_start3A_129 : memref<1x1x128xi32, #tpu.memory_space<vmem>> -> memref<128xi32, #tpu.memory_space<vmem>>
      %dma_start3A_131 = arith.constant 0 : i32
      %dma_start3A_132 = arith.constant 0 : i32
      %dma_start3A_133 = tpu.memref_slice %arg13[%dma_start3A_131, %dma_start3A_132] : memref<20480x16xf32, #tpu.memory_space<vmem_shared>> -> memref<20480x16xf32, #tpu.memory_space<vmem_shared>>
      tpu.enqueue_indirect_dma source(%dma_start3A_127 : memref<128x16xf32, #tpu.memory_space<vmem>>) target(%dma_start3A_133 : memref<20480x16xf32, #tpu.memory_space<vmem_shared>>) offsets(%dma_start3A_130 : memref<128xi32, #tpu.memory_space<vmem>>) semaphore(%arg16 : memref<!tpu.dma_semaphore, #tpu.memory_space<semaphore_mem>>) {add = true}
      %mul3A_134 = arith.constant 4 : i32
      %mul3A_135 = arith.muli %mul3A_134, %scan3A_105 : i32
      %add3A_136 = arith.constant 1 : i32
      %add3A_137 = arith.addi %mul3A_135, %add3A_136 : i32
      %dma_wait3A_138 = arith.constant 0 : i32
      %dma_wait3A_139 = arith.constant 1 : i32
      %dma_wait3A_140 = arith.constant 0 : i32
      %dma_wait3A_141 = arith.constant 0 : i32
      %dma_wait3A_142 = tpu.memref_slice %arg8[%dma_wait3A_139, %dma_wait3A_140, %dma_wait3A_141] : memref<4x128x16xf32, #tpu.memory_space<vmem>> -> memref<1x128x16xf32, #tpu.memory_space<vmem>>
      %dma_wait3A_143 = tpu.memref_squeeze %dma_wait3A_142 : memref<1x128x16xf32, #tpu.memory_space<vmem>> -> memref<128x16xf32, #tpu.memory_space<vmem>>
      %dma_wait3A_144 = arith.constant 0 : i32
      %dma_wait3A_145 = tpu.memref_slice %arg7[%add3A_137, %dma_wait3A_138, %dma_wait3A_144] : memref<40x2x128xi32, #tpu.memory_space<vmem>> -> memref<1x1x128xi32, #tpu.memory_space<vmem>>
      %dma_wait3A_146 = tpu.memref_squeeze %dma_wait3A_145 : memref<1x1x128xi32, #tpu.memory_space<vmem>> -> memref<128xi32, #tpu.memory_space<vmem>>
      %dma_wait3A_147 = arith.constant 0 : i32
      %dma_wait3A_148 = arith.constant 0 : i32
      %dma_wait3A_149 = tpu.memref_slice %arg2[%dma_wait3A_147, %dma_wait3A_148] : memref<20480x16xf32, #tpu.memory_space<hbm>> -> memref<20480x16xf32, #tpu.memory_space<hbm>>
      tpu.wait_indirect_dma semaphore(%arg15 : memref<!tpu.dma_semaphore, #tpu.memory_space<semaphore_mem>>) src(%dma_wait3A_149 : memref<20480x16xf32, #tpu.memory_space<hbm>>) dst(%dma_wait3A_143 : memref<128x16xf32, #tpu.memory_space<vmem>>)
      %dma_start3A_150 = arith.constant 1 : i32
      %dma_start3A_151 = arith.constant 1 : i32
      %dma_start3A_152 = arith.constant 0 : i32
      %dma_start3A_153 = arith.constant 0 : i32
      %dma_start3A_154 = tpu.memref_slice %arg8[%dma_start3A_150, %dma_start3A_152, %dma_start3A_153] : memref<4x128x16xf32, #tpu.memory_space<vmem>> -> memref<1x128x16xf32, #tpu.memory_space<vmem>>
      %dma_start3A_155 = tpu.memref_squeeze %dma_start3A_154 : memref<1x128x16xf32, #tpu.memory_space<vmem>> -> memref<128x16xf32, #tpu.memory_space<vmem>>
      %dma_start3A_156 = arith.constant 0 : i32
      %dma_start3A_157 = tpu.memref_slice %arg7[%add3A_137, %dma_start3A_151, %dma_start3A_156] : memref<40x2x128xi32, #tpu.memory_space<vmem>> -> memref<1x1x128xi32, #tpu.memory_space<vmem>>
      %dma_start3A_158 = tpu.memref_squeeze %dma_start3A_157 : memref<1x1x128xi32, #tpu.memory_space<vmem>> -> memref<128xi32, #tpu.memory_space<vmem>>
      %dma_start3A_159 = arith.constant 0 : i32
      %dma_start3A_160 = arith.constant 0 : i32
      %dma_start3A_161 = tpu.memref_slice %arg13[%dma_start3A_159, %dma_start3A_160] : memref<20480x16xf32, #tpu.memory_space<vmem_shared>> -> memref<20480x16xf32, #tpu.memory_space<vmem_shared>>
      tpu.enqueue_indirect_dma source(%dma_start3A_155 : memref<128x16xf32, #tpu.memory_space<vmem>>) target(%dma_start3A_161 : memref<20480x16xf32, #tpu.memory_space<vmem_shared>>) offsets(%dma_start3A_158 : memref<128xi32, #tpu.memory_space<vmem>>) semaphore(%arg16 : memref<!tpu.dma_semaphore, #tpu.memory_space<semaphore_mem>>) {add = true}
      %mul3A_162 = arith.constant 4 : i32
      %mul3A_163 = arith.muli %mul3A_162, %scan3A_105 : i32
      %add3A_164 = arith.constant 2 : i32
      %add3A_165 = arith.addi %mul3A_163, %add3A_164 : i32
      %dma_wait3A_166 = arith.constant 0 : i32
      %dma_wait3A_167 = arith.constant 2 : i32
      %dma_wait3A_168 = arith.constant 0 : i32
      %dma_wait3A_169 = arith.constant 0 : i32
      %dma_wait3A_170 = tpu.memref_slice %arg8[%dma_wait3A_167, %dma_wait3A_168, %dma_wait3A_169] : memref<4x128x16xf32, #tpu.memory_space<vmem>> -> memref<1x128x16xf32, #tpu.memory_space<vmem>>
      %dma_wait3A_171 = tpu.memref_squeeze %dma_wait3A_170 : memref<1x128x16xf32, #tpu.memory_space<vmem>> -> memref<128x16xf32, #tpu.memory_space<vmem>>
      %dma_wait3A_172 = arith.constant 0 : i32
      %dma_wait3A_173 = tpu.memref_slice %arg7[%add3A_165, %dma_wait3A_166, %dma_wait3A_172] : memref<40x2x128xi32, #tpu.memory_space<vmem>> -> memref<1x1x128xi32, #tpu.memory_space<vmem>>
      %dma_wait3A_174 = tpu.memref_squeeze %dma_wait3A_173 : memref<1x1x128xi32, #tpu.memory_space<vmem>> -> memref<128xi32, #tpu.memory_space<vmem>>
      %dma_wait3A_175 = arith.constant 0 : i32
      %dma_wait3A_176 = arith.constant 0 : i32
      %dma_wait3A_177 = tpu.memref_slice %arg2[%dma_wait3A_175, %dma_wait3A_176] : memref<20480x16xf32, #tpu.memory_space<hbm>> -> memref<20480x16xf32, #tpu.memory_space<hbm>>
      tpu.wait_indirect_dma semaphore(%arg15 : memref<!tpu.dma_semaphore, #tpu.memory_space<semaphore_mem>>) src(%dma_wait3A_177 : memref<20480x16xf32, #tpu.memory_space<hbm>>) dst(%dma_wait3A_171 : memref<128x16xf32, #tpu.memory_space<vmem>>)
      %dma_start3A_178 = arith.constant 2 : i32
      %dma_start3A_179 = arith.constant 1 : i32
      %dma_start3A_180 = arith.constant 0 : i32
      %dma_start3A_181 = arith.constant 0 : i32
      %dma_start3A_182 = tpu.memref_slice %arg8[%dma_start3A_178, %dma_start3A_180, %dma_start3A_181] : memref<4x128x16xf32, #tpu.memory_space<vmem>> -> memref<1x128x16xf32, #tpu.memory_space<vmem>>
      %dma_start3A_183 = tpu.memref_squeeze %dma_start3A_182 : memref<1x128x16xf32, #tpu.memory_space<vmem>> -> memref<128x16xf32, #tpu.memory_space<vmem>>
      %dma_start3A_184 = arith.constant 0 : i32
      %dma_start3A_185 = tpu.memref_slice %arg7[%add3A_165, %dma_start3A_179, %dma_start3A_184] : memref<40x2x128xi32, #tpu.memory_space<vmem>> -> memref<1x1x128xi32, #tpu.memory_space<vmem>>
      %dma_start3A_186 = tpu.memref_squeeze %dma_start3A_185 : memref<1x1x128xi32, #tpu.memory_space<vmem>> -> memref<128xi32, #tpu.memory_space<vmem>>
      %dma_start3A_187 = arith.constant 0 : i32
      %dma_start3A_188 = arith.constant 0 : i32
      %dma_start3A_189 = tpu.memref_slice %arg13[%dma_start3A_187, %dma_start3A_188] : memref<20480x16xf32, #tpu.memory_space<vmem_shared>> -> memref<20480x16xf32, #tpu.memory_space<vmem_shared>>
      tpu.enqueue_indirect_dma source(%dma_start3A_183 : memref<128x16xf32, #tpu.memory_space<vmem>>) target(%dma_start3A_189 : memref<20480x16xf32, #tpu.memory_space<vmem_shared>>) offsets(%dma_start3A_186 : memref<128xi32, #tpu.memory_space<vmem>>) semaphore(%arg16 : memref<!tpu.dma_semaphore, #tpu.memory_space<semaphore_mem>>) {add = true}
      %mul3A_190 = arith.constant 4 : i32
      %mul3A_191 = arith.muli %mul3A_190, %scan3A_105 : i32
      %add3A_192 = arith.constant 3 : i32
      %add3A_193 = arith.addi %mul3A_191, %add3A_192 : i32
      %dma_wait3A_194 = arith.constant 0 : i32
      %dma_wait3A_195 = arith.constant 3 : i32
      %dma_wait3A_196 = arith.constant 0 : i32
      %dma_wait3A_197 = arith.constant 0 : i32
      %dma_wait3A_198 = tpu.memref_slice %arg8[%dma_wait3A_195, %dma_wait3A_196, %dma_wait3A_197] : memref<4x128x16xf32, #tpu.memory_space<vmem>> -> memref<1x128x16xf32, #tpu.memory_space<vmem>>
      %dma_wait3A_199 = tpu.memref_squeeze %dma_wait3A_198 : memref<1x128x16xf32, #tpu.memory_space<vmem>> -> memref<128x16xf32, #tpu.memory_space<vmem>>
      %dma_wait3A_200 = arith.constant 0 : i32
      %dma_wait3A_201 = tpu.memref_slice %arg7[%add3A_193, %dma_wait3A_194, %dma_wait3A_200] : memref<40x2x128xi32, #tpu.memory_space<vmem>> -> memref<1x1x128xi32, #tpu.memory_space<vmem>>
      %dma_wait3A_202 = tpu.memref_squeeze %dma_wait3A_201 : memref<1x1x128xi32, #tpu.memory_space<vmem>> -> memref<128xi32, #tpu.memory_space<vmem>>
      %dma_wait3A_203 = arith.constant 0 : i32
      %dma_wait3A_204 = arith.constant 0 : i32
      %dma_wait3A_205 = tpu.memref_slice %arg2[%dma_wait3A_203, %dma_wait3A_204] : memref<20480x16xf32, #tpu.memory_space<hbm>> -> memref<20480x16xf32, #tpu.memory_space<hbm>>
      tpu.wait_indirect_dma semaphore(%arg15 : memref<!tpu.dma_semaphore, #tpu.memory_space<semaphore_mem>>) src(%dma_wait3A_205 : memref<20480x16xf32, #tpu.memory_space<hbm>>) dst(%dma_wait3A_199 : memref<128x16xf32, #tpu.memory_space<vmem>>)
      %dma_start3A_206 = arith.constant 3 : i32
      %dma_start3A_207 = arith.constant 1 : i32
      %dma_start3A_208 = arith.constant 0 : i32
      %dma_start3A_209 = arith.constant 0 : i32
      %dma_start3A_210 = tpu.memref_slice %arg8[%dma_start3A_206, %dma_start3A_208, %dma_start3A_209] : memref<4x128x16xf32, #tpu.memory_space<vmem>> -> memref<1x128x16xf32, #tpu.memory_space<vmem>>
      %dma_start3A_211 = tpu.memref_squeeze %dma_start3A_210 : memref<1x128x16xf32, #tpu.memory_space<vmem>> -> memref<128x16xf32, #tpu.memory_space<vmem>>
      %dma_start3A_212 = arith.constant 0 : i32
      %dma_start3A_213 = tpu.memref_slice %arg7[%add3A_193, %dma_start3A_207, %dma_start3A_212] : memref<40x2x128xi32, #tpu.memory_space<vmem>> -> memref<1x1x128xi32, #tpu.memory_space<vmem>>
      %dma_start3A_214 = tpu.memref_squeeze %dma_start3A_213 : memref<1x1x128xi32, #tpu.memory_space<vmem>> -> memref<128xi32, #tpu.memory_space<vmem>>
      %dma_start3A_215 = arith.constant 0 : i32
      %dma_start3A_216 = arith.constant 0 : i32
      %dma_start3A_217 = tpu.memref_slice %arg13[%dma_start3A_215, %dma_start3A_216] : memref<20480x16xf32, #tpu.memory_space<vmem_shared>> -> memref<20480x16xf32, #tpu.memory_space<vmem_shared>>
      tpu.enqueue_indirect_dma source(%dma_start3A_211 : memref<128x16xf32, #tpu.memory_space<vmem>>) target(%dma_start3A_217 : memref<20480x16xf32, #tpu.memory_space<vmem_shared>>) offsets(%dma_start3A_214 : memref<128xi32, #tpu.memory_space<vmem>>) semaphore(%arg16 : memref<!tpu.dma_semaphore, #tpu.memory_space<semaphore_mem>>) {add = true}
      %dma_wait3A_218 = arith.constant 0 : i32
      %dma_wait3A_219 = arith.constant 0 : i32
      %dma_wait3A_220 = arith.constant 1 : i32
      %dma_wait3A_221 = arith.constant 0 : i32
      %dma_wait3A_222 = arith.constant 0 : i32
      %dma_wait3A_223 = tpu.memref_slice %arg8[%dma_wait3A_218, %dma_wait3A_221, %dma_wait3A_222] : memref<4x128x16xf32, #tpu.memory_space<vmem>> -> memref<1x128x16xf32, #tpu.memory_space<vmem>>
      %dma_wait3A_224 = tpu.memref_squeeze %dma_wait3A_223 : memref<1x128x16xf32, #tpu.memory_space<vmem>> -> memref<128x16xf32, #tpu.memory_space<vmem>>
      %dma_wait3A_225 = arith.constant 0 : i32
      %dma_wait3A_226 = tpu.memref_slice %arg7[%dma_wait3A_219, %dma_wait3A_220, %dma_wait3A_225] : memref<40x2x128xi32, #tpu.memory_space<vmem>> -> memref<1x1x128xi32, #tpu.memory_space<vmem>>
      %dma_wait3A_227 = tpu.memref_squeeze %dma_wait3A_226 : memref<1x1x128xi32, #tpu.memory_space<vmem>> -> memref<128xi32, #tpu.memory_space<vmem>>
      %dma_wait3A_228 = arith.constant 0 : i32
      %dma_wait3A_229 = arith.constant 0 : i32
      %dma_wait3A_230 = tpu.memref_slice %arg13[%dma_wait3A_228, %dma_wait3A_229] : memref<20480x16xf32, #tpu.memory_space<vmem_shared>> -> memref<20480x16xf32, #tpu.memory_space<vmem_shared>>
      tpu.wait_indirect_dma semaphore(%arg16 : memref<!tpu.dma_semaphore, #tpu.memory_space<semaphore_mem>>) src(%dma_wait3A_224 : memref<128x16xf32, #tpu.memory_space<vmem>>) dst(%dma_wait3A_230 : memref<20480x16xf32, #tpu.memory_space<vmem_shared>>)
      %lt3A = arith.constant 9 : i32
      %lt3A_231 = arith.cmpi slt, %scan3A_105, %lt3A : i32
      %convert_element_type3A = arith.extui %lt3A_231 : i1 to i32
      %cond3A = arith.constant 0 : i32
      %cond3A_232 = arith.cmpi ne, %convert_element_type3A, %cond3A : i32
      scf.if %cond3A_232 {
        %mul3A_288 = arith.constant 4 : i32
        %mul3A_289 = arith.muli %mul3A_288, %scan3A_105 : i32
        %add3A_290 = arith.constant 4 : i32
        %add3A_291 = arith.addi %mul3A_289, %add3A_290 : i32
        %add3A_292 = arith.constant 0 : i32
        %add3A_293 = arith.addi %add3A_291, %add3A_292 : i32
        %dma_start3A_294 = arith.constant 0 : i32
        %dma_start3A_295 = arith.constant 0 : i32
        %dma_start3A_296 = arith.constant 0 : i32
        %dma_start3A_297 = arith.constant 0 : i32
        %dma_start3A_298 = tpu.memref_slice %arg8[%dma_start3A_295, %dma_start3A_296, %dma_start3A_297] : memref<4x128x16xf32, #tpu.memory_space<vmem>> -> memref<1x128x16xf32, #tpu.memory_space<vmem>>
        %dma_start3A_299 = tpu.memref_squeeze %dma_start3A_298 : memref<1x128x16xf32, #tpu.memory_space<vmem>> -> memref<128x16xf32, #tpu.memory_space<vmem>>
        %dma_start3A_300 = arith.constant 0 : i32
        %dma_start3A_301 = tpu.memref_slice %arg7[%add3A_293, %dma_start3A_294, %dma_start3A_300] : memref<40x2x128xi32, #tpu.memory_space<vmem>> -> memref<1x1x128xi32, #tpu.memory_space<vmem>>
        %dma_start3A_302 = tpu.memref_squeeze %dma_start3A_301 : memref<1x1x128xi32, #tpu.memory_space<vmem>> -> memref<128xi32, #tpu.memory_space<vmem>>
        %dma_start3A_303 = arith.constant 0 : i32
        %dma_start3A_304 = arith.constant 0 : i32
        %dma_start3A_305 = tpu.memref_slice %arg2[%dma_start3A_303, %dma_start3A_304] : memref<20480x16xf32, #tpu.memory_space<hbm>> -> memref<20480x16xf32, #tpu.memory_space<hbm>>
        tpu.enqueue_indirect_dma source(%dma_start3A_305 : memref<20480x16xf32, #tpu.memory_space<hbm>>) target(%dma_start3A_299 : memref<128x16xf32, #tpu.memory_space<vmem>>) offsets(%dma_start3A_302 : memref<128xi32, #tpu.memory_space<vmem>>) semaphore(%arg15 : memref<!tpu.dma_semaphore, #tpu.memory_space<semaphore_mem>>)
      } else {
      }
      %dma_wait3A_233 = arith.constant 1 : i32
      %dma_wait3A_234 = arith.constant 0 : i32
      %dma_wait3A_235 = arith.constant 1 : i32
      %dma_wait3A_236 = arith.constant 0 : i32
      %dma_wait3A_237 = arith.constant 0 : i32
      %dma_wait3A_238 = tpu.memref_slice %arg8[%dma_wait3A_233, %dma_wait3A_236, %dma_wait3A_237] : memref<4x128x16xf32, #tpu.memory_space<vmem>> -> memref<1x128x16xf32, #tpu.memory_space<vmem>>
      %dma_wait3A_239 = tpu.memref_squeeze %dma_wait3A_238 : memref<1x128x16xf32, #tpu.memory_space<vmem>> -> memref<128x16xf32, #tpu.memory_space<vmem>>
      %dma_wait3A_240 = arith.constant 0 : i32
      %dma_wait3A_241 = tpu.memref_slice %arg7[%dma_wait3A_234, %dma_wait3A_235, %dma_wait3A_240] : memref<40x2x128xi32, #tpu.memory_space<vmem>> -> memref<1x1x128xi32, #tpu.memory_space<vmem>>
      %dma_wait3A_242 = tpu.memref_squeeze %dma_wait3A_241 : memref<1x1x128xi32, #tpu.memory_space<vmem>> -> memref<128xi32, #tpu.memory_space<vmem>>
      %dma_wait3A_243 = arith.constant 0 : i32
      %dma_wait3A_244 = arith.constant 0 : i32
      %dma_wait3A_245 = tpu.memref_slice %arg13[%dma_wait3A_243, %dma_wait3A_244] : memref<20480x16xf32, #tpu.memory_space<vmem_shared>> -> memref<20480x16xf32, #tpu.memory_space<vmem_shared>>
      tpu.wait_indirect_dma semaphore(%arg16 : memref<!tpu.dma_semaphore, #tpu.memory_space<semaphore_mem>>) src(%dma_wait3A_239 : memref<128x16xf32, #tpu.memory_space<vmem>>) dst(%dma_wait3A_245 : memref<20480x16xf32, #tpu.memory_space<vmem_shared>>)
      %lt3A_246 = arith.constant 9 : i32
      %lt3A_247 = arith.cmpi slt, %scan3A_105, %lt3A_246 : i32
      %convert_element_type3A_248 = arith.extui %lt3A_247 : i1 to i32
      %cond3A_249 = arith.constant 0 : i32
      %cond3A_250 = arith.cmpi ne, %convert_element_type3A_248, %cond3A_249 : i32
      scf.if %cond3A_250 {
        %mul3A_288 = arith.constant 4 : i32
        %mul3A_289 = arith.muli %mul3A_288, %scan3A_105 : i32
        %add3A_290 = arith.constant 4 : i32
        %add3A_291 = arith.addi %mul3A_289, %add3A_290 : i32
        %add3A_292 = arith.constant 1 : i32
        %add3A_293 = arith.addi %add3A_291, %add3A_292 : i32
        %dma_start3A_294 = arith.constant 0 : i32
        %dma_start3A_295 = arith.constant 1 : i32
        %dma_start3A_296 = arith.constant 0 : i32
        %dma_start3A_297 = arith.constant 0 : i32
        %dma_start3A_298 = tpu.memref_slice %arg8[%dma_start3A_295, %dma_start3A_296, %dma_start3A_297] : memref<4x128x16xf32, #tpu.memory_space<vmem>> -> memref<1x128x16xf32, #tpu.memory_space<vmem>>
        %dma_start3A_299 = tpu.memref_squeeze %dma_start3A_298 : memref<1x128x16xf32, #tpu.memory_space<vmem>> -> memref<128x16xf32, #tpu.memory_space<vmem>>
        %dma_start3A_300 = arith.constant 0 : i32
        %dma_start3A_301 = tpu.memref_slice %arg7[%add3A_293, %dma_start3A_294, %dma_start3A_300] : memref<40x2x128xi32, #tpu.memory_space<vmem>> -> memref<1x1x128xi32, #tpu.memory_space<vmem>>
        %dma_start3A_302 = tpu.memref_squeeze %dma_start3A_301 : memref<1x1x128xi32, #tpu.memory_space<vmem>> -> memref<128xi32, #tpu.memory_space<vmem>>
        %dma_start3A_303 = arith.constant 0 : i32
        %dma_start3A_304 = arith.constant 0 : i32
        %dma_start3A_305 = tpu.memref_slice %arg2[%dma_start3A_303, %dma_start3A_304] : memref<20480x16xf32, #tpu.memory_space<hbm>> -> memref<20480x16xf32, #tpu.memory_space<hbm>>
        tpu.enqueue_indirect_dma source(%dma_start3A_305 : memref<20480x16xf32, #tpu.memory_space<hbm>>) target(%dma_start3A_299 : memref<128x16xf32, #tpu.memory_space<vmem>>) offsets(%dma_start3A_302 : memref<128xi32, #tpu.memory_space<vmem>>) semaphore(%arg15 : memref<!tpu.dma_semaphore, #tpu.memory_space<semaphore_mem>>)
      } else {
      }
      %dma_wait3A_251 = arith.constant 2 : i32
      %dma_wait3A_252 = arith.constant 0 : i32
      %dma_wait3A_253 = arith.constant 1 : i32
      %dma_wait3A_254 = arith.constant 0 : i32
      %dma_wait3A_255 = arith.constant 0 : i32
      %dma_wait3A_256 = tpu.memref_slice %arg8[%dma_wait3A_251, %dma_wait3A_254, %dma_wait3A_255] : memref<4x128x16xf32, #tpu.memory_space<vmem>> -> memref<1x128x16xf32, #tpu.memory_space<vmem>>
      %dma_wait3A_257 = tpu.memref_squeeze %dma_wait3A_256 : memref<1x128x16xf32, #tpu.memory_space<vmem>> -> memref<128x16xf32, #tpu.memory_space<vmem>>
      %dma_wait3A_258 = arith.constant 0 : i32
      %dma_wait3A_259 = tpu.memref_slice %arg7[%dma_wait3A_252, %dma_wait3A_253, %dma_wait3A_258] : memref<40x2x128xi32, #tpu.memory_space<vmem>> -> memref<1x1x128xi32, #tpu.memory_space<vmem>>
      %dma_wait3A_260 = tpu.memref_squeeze %dma_wait3A_259 : memref<1x1x128xi32, #tpu.memory_space<vmem>> -> memref<128xi32, #tpu.memory_space<vmem>>
      %dma_wait3A_261 = arith.constant 0 : i32
      %dma_wait3A_262 = arith.constant 0 : i32
      %dma_wait3A_263 = tpu.memref_slice %arg13[%dma_wait3A_261, %dma_wait3A_262] : memref<20480x16xf32, #tpu.memory_space<vmem_shared>> -> memref<20480x16xf32, #tpu.memory_space<vmem_shared>>
      tpu.wait_indirect_dma semaphore(%arg16 : memref<!tpu.dma_semaphore, #tpu.memory_space<semaphore_mem>>) src(%dma_wait3A_257 : memref<128x16xf32, #tpu.memory_space<vmem>>) dst(%dma_wait3A_263 : memref<20480x16xf32, #tpu.memory_space<vmem_shared>>)
      %lt3A_264 = arith.constant 9 : i32
      %lt3A_265 = arith.cmpi slt, %scan3A_105, %lt3A_264 : i32
      %convert_element_type3A_266 = arith.extui %lt3A_265 : i1 to i32
      %cond3A_267 = arith.constant 0 : i32
      %cond3A_268 = arith.cmpi ne, %convert_element_type3A_266, %cond3A_267 : i32
      scf.if %cond3A_268 {
        %mul3A_288 = arith.constant 4 : i32
        %mul3A_289 = arith.muli %mul3A_288, %scan3A_105 : i32
        %add3A_290 = arith.constant 4 : i32
        %add3A_291 = arith.addi %mul3A_289, %add3A_290 : i32
        %add3A_292 = arith.constant 2 : i32
        %add3A_293 = arith.addi %add3A_291, %add3A_292 : i32
        %dma_start3A_294 = arith.constant 0 : i32
        %dma_start3A_295 = arith.constant 2 : i32
        %dma_start3A_296 = arith.constant 0 : i32
        %dma_start3A_297 = arith.constant 0 : i32
        %dma_start3A_298 = tpu.memref_slice %arg8[%dma_start3A_295, %dma_start3A_296, %dma_start3A_297] : memref<4x128x16xf32, #tpu.memory_space<vmem>> -> memref<1x128x16xf32, #tpu.memory_space<vmem>>
        %dma_start3A_299 = tpu.memref_squeeze %dma_start3A_298 : memref<1x128x16xf32, #tpu.memory_space<vmem>> -> memref<128x16xf32, #tpu.memory_space<vmem>>
        %dma_start3A_300 = arith.constant 0 : i32
        %dma_start3A_301 = tpu.memref_slice %arg7[%add3A_293, %dma_start3A_294, %dma_start3A_300] : memref<40x2x128xi32, #tpu.memory_space<vmem>> -> memref<1x1x128xi32, #tpu.memory_space<vmem>>
        %dma_start3A_302 = tpu.memref_squeeze %dma_start3A_301 : memref<1x1x128xi32, #tpu.memory_space<vmem>> -> memref<128xi32, #tpu.memory_space<vmem>>
        %dma_start3A_303 = arith.constant 0 : i32
        %dma_start3A_304 = arith.constant 0 : i32
        %dma_start3A_305 = tpu.memref_slice %arg2[%dma_start3A_303, %dma_start3A_304] : memref<20480x16xf32, #tpu.memory_space<hbm>> -> memref<20480x16xf32, #tpu.memory_space<hbm>>
        tpu.enqueue_indirect_dma source(%dma_start3A_305 : memref<20480x16xf32, #tpu.memory_space<hbm>>) target(%dma_start3A_299 : memref<128x16xf32, #tpu.memory_space<vmem>>) offsets(%dma_start3A_302 : memref<128xi32, #tpu.memory_space<vmem>>) semaphore(%arg15 : memref<!tpu.dma_semaphore, #tpu.memory_space<semaphore_mem>>)
      } else {
      }
      %dma_wait3A_269 = arith.constant 3 : i32
      %dma_wait3A_270 = arith.constant 0 : i32
      %dma_wait3A_271 = arith.constant 1 : i32
      %dma_wait3A_272 = arith.constant 0 : i32
      %dma_wait3A_273 = arith.constant 0 : i32
      %dma_wait3A_274 = tpu.memref_slice %arg8[%dma_wait3A_269, %dma_wait3A_272, %dma_wait3A_273] : memref<4x128x16xf32, #tpu.memory_space<vmem>> -> memref<1x128x16xf32, #tpu.memory_space<vmem>>
      %dma_wait3A_275 = tpu.memref_squeeze %dma_wait3A_274 : memref<1x128x16xf32, #tpu.memory_space<vmem>> -> memref<128x16xf32, #tpu.memory_space<vmem>>
      %dma_wait3A_276 = arith.constant 0 : i32
      %dma_wait3A_277 = tpu.memref_slice %arg7[%dma_wait3A_270, %dma_wait3A_271, %dma_wait3A_276] : memref<40x2x128xi32, #tpu.memory_space<vmem>> -> memref<1x1x128xi32, #tpu.memory_space<vmem>>
      %dma_wait3A_278 = tpu.memref_squeeze %dma_wait3A_277 : memref<1x1x128xi32, #tpu.memory_space<vmem>> -> memref<128xi32, #tpu.memory_space<vmem>>
      %dma_wait3A_279 = arith.constant 0 : i32
      %dma_wait3A_280 = arith.constant 0 : i32
      %dma_wait3A_281 = tpu.memref_slice %arg13[%dma_wait3A_279, %dma_wait3A_280] : memref<20480x16xf32, #tpu.memory_space<vmem_shared>> -> memref<20480x16xf32, #tpu.memory_space<vmem_shared>>
      tpu.wait_indirect_dma semaphore(%arg16 : memref<!tpu.dma_semaphore, #tpu.memory_space<semaphore_mem>>) src(%dma_wait3A_275 : memref<128x16xf32, #tpu.memory_space<vmem>>) dst(%dma_wait3A_281 : memref<20480x16xf32, #tpu.memory_space<vmem_shared>>)
      %lt3A_282 = arith.constant 9 : i32
      %lt3A_283 = arith.cmpi slt, %scan3A_105, %lt3A_282 : i32
      %convert_element_type3A_284 = arith.extui %lt3A_283 : i1 to i32
      %cond3A_285 = arith.constant 0 : i32
      %cond3A_286 = arith.cmpi ne, %convert_element_type3A_284, %cond3A_285 : i32
      scf.if %cond3A_286 {
        %mul3A_288 = arith.constant 4 : i32
        %mul3A_289 = arith.muli %mul3A_288, %scan3A_105 : i32
        %add3A_290 = arith.constant 4 : i32
        %add3A_291 = arith.addi %mul3A_289, %add3A_290 : i32
        %add3A_292 = arith.constant 3 : i32
        %add3A_293 = arith.addi %add3A_291, %add3A_292 : i32
        %dma_start3A_294 = arith.constant 0 : i32
        %dma_start3A_295 = arith.constant 3 : i32
        %dma_start3A_296 = arith.constant 0 : i32
        %dma_start3A_297 = arith.constant 0 : i32
        %dma_start3A_298 = tpu.memref_slice %arg8[%dma_start3A_295, %dma_start3A_296, %dma_start3A_297] : memref<4x128x16xf32, #tpu.memory_space<vmem>> -> memref<1x128x16xf32, #tpu.memory_space<vmem>>
        %dma_start3A_299 = tpu.memref_squeeze %dma_start3A_298 : memref<1x128x16xf32, #tpu.memory_space<vmem>> -> memref<128x16xf32, #tpu.memory_space<vmem>>
        %dma_start3A_300 = arith.constant 0 : i32
        %dma_start3A_301 = tpu.memref_slice %arg7[%add3A_293, %dma_start3A_294, %dma_start3A_300] : memref<40x2x128xi32, #tpu.memory_space<vmem>> -> memref<1x1x128xi32, #tpu.memory_space<vmem>>
        %dma_start3A_302 = tpu.memref_squeeze %dma_start3A_301 : memref<1x1x128xi32, #tpu.memory_space<vmem>> -> memref<128xi32, #tpu.memory_space<vmem>>
        %dma_start3A_303 = arith.constant 0 : i32
        %dma_start3A_304 = arith.constant 0 : i32
        %dma_start3A_305 = tpu.memref_slice %arg2[%dma_start3A_303, %dma_start3A_304] : memref<20480x16xf32, #tpu.memory_space<hbm>> -> memref<20480x16xf32, #tpu.memory_space<hbm>>
        tpu.enqueue_indirect_dma source(%dma_start3A_305 : memref<20480x16xf32, #tpu.memory_space<hbm>>) target(%dma_start3A_299 : memref<128x16xf32, #tpu.memory_space<vmem>>) offsets(%dma_start3A_302 : memref<128xi32, #tpu.memory_space<vmem>>) semaphore(%arg15 : memref<!tpu.dma_semaphore, #tpu.memory_space<semaphore_mem>>)
      } else {
      }
      %scan3A_287 = arith.constant 0 : i32
      scf.yield %scan3A_287 : i32
    }
    %scan3A_77 = arith.constant 10 : i32
    %barrier3A_78 = arith.constant 0 : index
    tpu.barrier barrier_id(%barrier3A_78)
    %dma_wait3A = arith.constant 0 : i32
    %dma_wait3A_79 = tpu.memref_slice %arg2[%mul3A_0, %dma_wait3A] : memref<20480x16xf32, #tpu.memory_space<hbm>> -> memref<1280x16xf32, #tpu.memory_space<hbm>>
    %dma_wait3A_80 = arith.constant 0 : i32
    %dma_wait3A_81 = tpu.memref_slice %arg2[%mul3A_0, %dma_wait3A_80] : memref<20480x16xf32, #tpu.memory_space<hbm>> -> memref<1280x16xf32, #tpu.memory_space<hbm>>
    tpu.wait_dma2 semaphore(%arg17 : memref<!tpu.dma_semaphore, #tpu.memory_space<semaphore_mem>>) src(%dma_wait3A_81 : memref<1280x16xf32, #tpu.memory_space<hbm>>) dst(%arg9 : memref<1280x16xf32, #tpu.memory_space<vmem>>)
    "tpu.region"() ({
      %run_scoped3A_105 = tpu.sem_alloc : memref<!tpu.dma_semaphore, #tpu.memory_space<semaphore_mem>>
      %dma_start3A_106 = arith.constant 0 : i32
      %dma_start3A_107 = tpu.memref_slice %arg13[%mul3A_0, %dma_start3A_106] : memref<20480x16xf32, #tpu.memory_space<vmem_shared>> -> memref<1280x16xf32, #tpu.memory_space<vmem_shared>>
      %dma_start3A_108 = arith.constant 0 : i32
      %dma_start3A_109 = tpu.memref_slice %arg13[%mul3A_0, %dma_start3A_108] : memref<20480x16xf32, #tpu.memory_space<vmem_shared>> -> memref<1280x16xf32, #tpu.memory_space<vmem_shared>>
      tpu.enqueue_dma source(%dma_start3A_109 : memref<1280x16xf32, #tpu.memory_space<vmem_shared>>) target(%arg10 : memref<1280x16xf32, #tpu.memory_space<vmem>>) target_semaphore(%run_scoped3A_105 : memref<!tpu.dma_semaphore, #tpu.memory_space<semaphore_mem>>)
      %dma_wait3A_110 = arith.constant 0 : i32
      %dma_wait3A_111 = tpu.memref_slice %arg13[%mul3A_0, %dma_wait3A_110] : memref<20480x16xf32, #tpu.memory_space<vmem_shared>> -> memref<1280x16xf32, #tpu.memory_space<vmem_shared>>
      %dma_wait3A_112 = arith.constant 0 : i32
      %dma_wait3A_113 = tpu.memref_slice %arg13[%mul3A_0, %dma_wait3A_112] : memref<20480x16xf32, #tpu.memory_space<vmem_shared>> -> memref<1280x16xf32, #tpu.memory_space<vmem_shared>>
      tpu.wait_dma2 semaphore(%run_scoped3A_105 : memref<!tpu.dma_semaphore, #tpu.memory_space<semaphore_mem>>) src(%dma_wait3A_113 : memref<1280x16xf32, #tpu.memory_space<vmem_shared>>) dst(%arg10 : memref<1280x16xf32, #tpu.memory_space<vmem>>)
      tpu.yield
    }) : () -> ()
    %get3A = arith.constant 0 : index
    %get3A_82 = tpu.vector_load %arg12[%get3A] {strides = array<i32>} : memref<16xf32, #tpu.memory_space<vmem>>, vector<16xf32>,
    %get3A_83 = vector.shape_cast %get3A_82 : vector<16xf32> to vector<16xf32>
    %parallel_loop3A = arith.constant 0 : i32
    %parallel_loop3A_84 = arith.constant 1280 : i32
    %parallel_loop3A_85 = arith.constant 1 : i32
    scf.for %parallel_loop3A_105 = %parallel_loop3A to %parallel_loop3A_84 step %parallel_loop3A_85  : i32 {
      %parallel_loop3A_106 = arith.index_cast %parallel_loop3A_105 : i32 to index
      %parallel_loop3A_107 = arith.constant 0 : index
      %parallel_loop3A_108 = tpu.vector_load %arg9[%parallel_loop3A_106, %parallel_loop3A_107] {strides = array<i32>} : memref<1280x16xf32, #tpu.memory_space<vmem>>, vector<1x16xf32>,
      %parallel_loop3A_109 = vector.shape_cast %parallel_loop3A_108 : vector<1x16xf32> to vector<16xf32>
      %parallel_loop3A_110 = arith.index_cast %parallel_loop3A_105 : i32 to index
      %parallel_loop3A_111 = arith.constant 0 : index
      %parallel_loop3A_112 = tpu.vector_load %arg10[%parallel_loop3A_110, %parallel_loop3A_111] {strides = array<i32>} : memref<1280x16xf32, #tpu.memory_space<vmem>>, vector<1x16xf32>,
      %parallel_loop3A_113 = vector.shape_cast %parallel_loop3A_112 : vector<1x16xf32> to vector<16xf32>
      %parallel_loop3A_114 = arith.addf %parallel_loop3A_109, %parallel_loop3A_113 : vector<16xf32>
      %parallel_loop3A_115 = arith.addf %parallel_loop3A_114, %get3A_83 : vector<16xf32>
      %parallel_loop3A_116 = arith.constant 0.000000e+00 : f32
      %parallel_loop3A_117 = vector.broadcast %parallel_loop3A_116 : f32 to vector<16xf32>
      %parallel_loop3A_118 = arith.maximumf %parallel_loop3A_115, %parallel_loop3A_117 : vector<16xf32>
      %parallel_loop3A_119 = arith.index_cast %parallel_loop3A_105 : i32 to index
      %parallel_loop3A_120 = arith.constant 0 : index
      %parallel_loop3A_121 = tpu.vector_load %arg9[%parallel_loop3A_119, %parallel_loop3A_120] {strides = array<i32>} : memref<1280x16xf32, #tpu.memory_space<vmem>>, vector<1x16xf32>,
      %parallel_loop3A_122 = vector.shape_cast %parallel_loop3A_121 : vector<1x16xf32> to vector<16xf32>
      %parallel_loop3A_123 = vector.shape_cast %parallel_loop3A_118 : vector<16xf32> to vector<1x16xf32>
      tpu.vector_store %arg9[%parallel_loop3A_119, %parallel_loop3A_120], %parallel_loop3A_123 {strides = array<i32>} : memref<1280x16xf32, #tpu.memory_space<vmem>>, vector<1x16xf32>,
    } {sc.loop_unroll_factor = 8 : i64, sc.parallel_access}
    %scan3A_86 = arith.constant 0 : i32
    %scan3A_87 = arith.constant 0 : i32
    %scan3A_88 = arith.constant 10 : i32
    %scan3A_89 = arith.addi %scan3A_87, %scan3A_88 : i32
    %scan3A_90 = arith.constant 1 : i32
    %scan3A_91 = scf.for %scan3A_105 = %scan3A_87 to %scan3A_89 step %scan3A_90 iter_args(%scan3A_106 = %scan3A_86) -> (i32)  : i32 {
      %mul3A_107 = arith.constant 128 : i32
      %mul3A_108 = arith.muli %scan3A_105, %mul3A_107 : i32
      %dma_start3A_109 = arith.constant 0 : i32
      %dma_start3A_110 = tpu.memref_slice %arg9[%mul3A_108, %dma_start3A_109] : memref<1280x16xf32, #tpu.memory_space<vmem>> -> memref<128x16xf32, #tpu.memory_space<vmem>>
      %dma_start3A_111 = arith.constant 0 : i32
      %dma_start3A_112 = tpu.memref_slice %arg11[%scan3A_105, %dma_start3A_111] : memref<10x128xi32, #tpu.memory_space<vmem>> -> memref<1x128xi32, #tpu.memory_space<vmem>>
      %dma_start3A_113 = tpu.memref_squeeze %dma_start3A_112 : memref<1x128xi32, #tpu.memory_space<vmem>> -> memref<128xi32, #tpu.memory_space<vmem>>
      %dma_start3A_114 = arith.constant 0 : i32
      %dma_start3A_115 = arith.constant 0 : i32
      %dma_start3A_116 = tpu.memref_slice %arg14[%dma_start3A_114, %dma_start3A_115] : memref<1024x16xf32, #tpu.memory_space<vmem_shared>> -> memref<1024x16xf32, #tpu.memory_space<vmem_shared>>
      tpu.enqueue_indirect_dma source(%dma_start3A_110 : memref<128x16xf32, #tpu.memory_space<vmem>>) target(%dma_start3A_116 : memref<1024x16xf32, #tpu.memory_space<vmem_shared>>) offsets(%dma_start3A_113 : memref<128xi32, #tpu.memory_space<vmem>>) semaphore(%arg16 : memref<!tpu.dma_semaphore, #tpu.memory_space<semaphore_mem>>) {add = true}
      %scan3A_117 = arith.constant 0 : i32
      scf.yield %scan3A_117 : i32
    }
    %scan3A_92 = arith.constant 10 : i32
    %scan3A_93 = arith.constant 0 : i32
    %scan3A_94 = arith.constant 0 : i32
    %scan3A_95 = arith.constant 10 : i32
    %scan3A_96 = arith.addi %scan3A_94, %scan3A_95 : i32
    %scan3A_97 = arith.constant 1 : i32
    %scan3A_98 = scf.for %scan3A_105 = %scan3A_94 to %scan3A_96 step %scan3A_97 iter_args(%scan3A_106 = %scan3A_93) -> (i32)  : i32 {
      %dma_wait3A_107 = arith.constant 0 : i32
      %dma_wait3A_108 = arith.constant 0 : i32
      %dma_wait3A_109 = arith.constant 0 : i32
      %dma_wait3A_110 = tpu.memref_slice %arg9[%dma_wait3A_108, %dma_wait3A_109] : memref<1280x16xf32, #tpu.memory_space<vmem>> -> memref<128x16xf32, #tpu.memory_space<vmem>>
      %dma_wait3A_111 = arith.constant 0 : i32
      %dma_wait3A_112 = tpu.memref_slice %arg11[%dma_wait3A_107, %dma_wait3A_111] : memref<10x128xi32, #tpu.memory_space<vmem>> -> memref<1x128xi32, #tpu.memory_space<vmem>>
      %dma_wait3A_113 = tpu.memref_squeeze %dma_wait3A_112 : memref<1x128xi32, #tpu.memory_space<vmem>> -> memref<128xi32, #tpu.memory_space<vmem>>
      %dma_wait3A_114 = arith.constant 0 : i32
      %dma_wait3A_115 = arith.constant 0 : i32
      %dma_wait3A_116 = tpu.memref_slice %arg14[%dma_wait3A_114, %dma_wait3A_115] : memref<1024x16xf32, #tpu.memory_space<vmem_shared>> -> memref<1024x16xf32, #tpu.memory_space<vmem_shared>>
      tpu.wait_indirect_dma semaphore(%arg16 : memref<!tpu.dma_semaphore, #tpu.memory_space<semaphore_mem>>) src(%dma_wait3A_110 : memref<128x16xf32, #tpu.memory_space<vmem>>) dst(%dma_wait3A_116 : memref<1024x16xf32, #tpu.memory_space<vmem_shared>>)
      %scan3A_117 = arith.constant 0 : i32
      scf.yield %scan3A_117 : i32
    }
    %scan3A_99 = arith.constant 10 : i32
    %barrier3A_100 = arith.constant 0 : index
    tpu.barrier barrier_id(%barrier3A_100)
    %mul3A_101 = arith.constant 64 : i32
    %mul3A_102 = arith.muli %arg1, %mul3A_101 : i32
    %mul3A_103 = arith.constant 64 : i32
    %mul3A_104 = arith.muli %arg1, %mul3A_103 : i32
    "tpu.region"() ({
      %run_scoped3A_105 = tpu.sem_alloc : memref<!tpu.dma_semaphore, #tpu.memory_space<semaphore_mem>>
      %dma_start3A_106 = arith.constant 0 : i32
      %dma_start3A_107 = tpu.memref_slice %arg6[%arg0, %mul3A_104, %dma_start3A_106] : memref<2x1024x16xf32, #tpu.memory_space<hbm>> -> memref<1x64x16xf32, #tpu.memory_space<hbm>>
      %dma_start3A_108 = tpu.memref_squeeze %dma_start3A_107 : memref<1x64x16xf32, #tpu.memory_space<hbm>> -> memref<64x16xf32, #tpu.memory_space<hbm>>
      %dma_start3A_109 = arith.constant 0 : i32
      %dma_start3A_110 = tpu.memref_slice %arg14[%mul3A_102, %dma_start3A_109] : memref<1024x16xf32, #tpu.memory_space<vmem_shared>> -> memref<64x16xf32, #tpu.memory_space<vmem_shared>>
      tpu.enqueue_dma source(%dma_start3A_110 : memref<64x16xf32, #tpu.memory_space<vmem_shared>>) target(%dma_start3A_108 : memref<64x16xf32, #tpu.memory_space<hbm>>) target_semaphore(%run_scoped3A_105 : memref<!tpu.dma_semaphore, #tpu.memory_space<semaphore_mem>>)
      %dma_wait3A_111 = arith.constant 0 : i32
      %dma_wait3A_112 = tpu.memref_slice %arg6[%arg0, %mul3A_104, %dma_wait3A_111] : memref<2x1024x16xf32, #tpu.memory_space<hbm>> -> memref<1x64x16xf32, #tpu.memory_space<hbm>>
      %dma_wait3A_113 = tpu.memref_squeeze %dma_wait3A_112 : memref<1x64x16xf32, #tpu.memory_space<hbm>> -> memref<64x16xf32, #tpu.memory_space<hbm>>
      %dma_wait3A_114 = arith.constant 0 : i32
      %dma_wait3A_115 = tpu.memref_slice %arg14[%mul3A_102, %dma_wait3A_114] : memref<1024x16xf32, #tpu.memory_space<vmem_shared>> -> memref<64x16xf32, #tpu.memory_space<vmem_shared>>
      tpu.wait_dma2 semaphore(%run_scoped3A_105 : memref<!tpu.dma_semaphore, #tpu.memory_space<semaphore_mem>>) src(%dma_wait3A_115 : memref<64x16xf32, #tpu.memory_space<vmem_shared>>) dst(%dma_wait3A_113 : memref<64x16xf32, #tpu.memory_space<hbm>>)
      tpu.yield
    }) : () -> ()
    return
  }
}

module attributes {stable_mosaic.version = 14 : i64} {
  func.func @_mm_body(%arg0: i32, %arg1: memref<20x2048xf32, #tpu.memory_space<vmem>>, %arg2: memref<20x16xf32, #tpu.memory_space<vmem>>, %arg3: memref<2048x16xf32, #tpu.memory_space<vmem>>) attributes {dimension_semantics = [#tpu.dimension_semantics<arbitrary>], iteration_bounds = array<i64: 10>, scalar_prefetch = 0 : i64, scratch_operands = 0 : i64, tpu.core_type = #tpu.core_type<tc>, window_params = [{transform_indices = @transform_0, window_bounds = array<i64: 20, 2048>}, {pipeline_mode = #tpu.pipeline_mode<synchronous>, transform_indices = @transform_1, window_bounds = array<i64: 20, 16>}, {transform_indices = @transform_2, window_bounds = array<i64: 2048, 16>}]} {
    %get3A = arith.constant 0 : index
    %get3A_0 = arith.constant 0 : index
    %get3A_1 = vector.load %arg1[%get3A, %get3A_0] : memref<20x2048xf32, #tpu.memory_space<vmem>>, vector<20x2048xf32>
    %get3A_2 = arith.constant 0 : index
    %get3A_3 = arith.constant 0 : index
    %get3A_4 = vector.load %arg2[%get3A_2, %get3A_3] : memref<20x16xf32, #tpu.memory_space<vmem>>, vector<20x16xf32>
    %dot_general3A = arith.constant dense<0.000000e+00> : vector<2048x16xf32>
    %dot_general3A_5 = tpu.matmul %get3A_1, %get3A_4, %dot_general3A {dimension_numbers = #tpu.dot_dimension_numbers<[0], [0], [1], [1], [0, 1, 1, 1], [], []>, transpose_lhs_hint = false} : vector<20x2048xf32>, vector<20x16xf32>, vector<2048x16xf32> -> vector<2048x16xf32>
    %swap3A = arith.constant 0 : index
    %swap3A_6 = arith.constant 0 : index
    %swap3A_7 = vector.load %arg3[%swap3A, %swap3A_6] : memref<2048x16xf32, #tpu.memory_space<vmem>>, vector<2048x16xf32>
    tpu.vector_store %arg3[%swap3A, %swap3A_6], %dot_general3A_5 {strides = array<i32>} : memref<2048x16xf32, #tpu.memory_space<vmem>>, vector<2048x16xf32>,
    return
  }
  func.func @transform_0(%arg0: i32) -> (i32, i32) {
    %c0_i32 = arith.constant 0 : i32
    %c0_i32_0 = arith.constant 0 : i32
    return %c0_i32, %arg0 : i32, i32
  }
  func.func @transform_1(%arg0: i32) -> (i32, i32) {
    %c0_i32 = arith.constant 0 : i32
    %c0_i32_0 = arith.constant 0 : i32
    %c0_i32_1 = arith.constant 0 : i32
    return %c0_i32, %c0_i32_0 : i32, i32
  }
  func.func @transform_2(%arg0: i32) -> (i32, i32) {
    %c0_i32 = arith.constant 0 : i32
    %c0_i32_0 = arith.constant 0 : i32
    return %arg0, %c0_i32 : i32, i32
  }
}

module attributes {stable_mosaic.version = 14 : i64} {
  func.func @_embed_body(%arg0: i32, %arg1: memref<1x1x3584xi32, #tpu.memory_space<vmem>>, %arg2: memref<1x1x3584xi32, #tpu.memory_space<vmem>>, %arg3: memref<1x1x64xi32, #tpu.memory_space<vmem>>, %arg4: memref<2x64x16xf32, #tpu.memory_space<vmem>>, %arg5: memref<16x128xf32, #tpu.memory_space<vmem>>, %arg6: memref<1x128xf32, #tpu.memory_space<vmem>>, %arg7: memref<48x128xf32, #tpu.memory_space<vmem>>, %arg8: memref<16x128xf32, #tpu.memory_space<vmem>>, %arg9: memref<56x128xf32, #tpu.memory_space<vmem>>, %arg10: memref<1x128xf32, #tpu.memory_space<vmem>>, %arg11: memref<1x128xf32, #tpu.memory_space<vmem>>, %arg12: memref<50x64x128xf32, #tpu.memory_space<vmem>>) attributes {dimension_semantics = [#tpu.dimension_semantics<arbitrary>], iteration_bounds = array<i64: 16>, scalar_prefetch = 0 : i64, scratch_operands = 0 : i64, tpu.core_type = #tpu.core_type<tc>, window_params = [{transform_indices = @transform_0, window_bounds = array<i64: 1, 1, 3584>}, {transform_indices = @transform_1, window_bounds = array<i64: 1, 1, 3584>}, {transform_indices = @transform_2, window_bounds = array<i64: 1, 1, 64>}, {transform_indices = @transform_3, window_bounds = array<i64: 2, 64, 16>}, {pipeline_mode = #tpu.pipeline_mode<synchronous>, transform_indices = @transform_4, window_bounds = array<i64: 16, 128>}, {pipeline_mode = #tpu.pipeline_mode<synchronous>, transform_indices = @transform_5, window_bounds = array<i64: 1, 128>}, {pipeline_mode = #tpu.pipeline_mode<synchronous>, transform_indices = @transform_6, window_bounds = array<i64: 48, 128>}, {pipeline_mode = #tpu.pipeline_mode<synchronous>, transform_indices = @transform_7, window_bounds = array<i64: 16, 128>}, {pipeline_mode = #tpu.pipeline_mode<synchronous>, transform_indices = @transform_8, window_bounds = array<i64: 56, 128>}, {pipeline_mode = #tpu.pipeline_mode<synchronous>, transform_indices = @transform_9, window_bounds = array<i64: 1, 128>}, {pipeline_mode = #tpu.pipeline_mode<synchronous>, transform_indices = @transform_10, window_bounds = array<i64: 1, 128>}, {transform_indices = @transform_11, window_bounds = array<i64: 50, 64, 128>}]} {
    %get3A = arith.constant 0 : index
    %get3A_0 = arith.constant 0 : index
    %get3A_1 = arith.constant 0 : index
    %get3A_2 = vector.load %arg4[%get3A, %get3A_0, %get3A_1] : memref<2x64x16xf32, #tpu.memory_space<vmem>>, vector<1x64x16xf32>
    %get3A_3 = vector.shape_cast %get3A_2 : vector<1x64x16xf32> to vector<64x16xf32>
    %get3A_4 = arith.constant 1 : index
    %get3A_5 = arith.constant 0 : index
    %get3A_6 = arith.constant 0 : index
    %get3A_7 = vector.load %arg4[%get3A_4, %get3A_5, %get3A_6] : memref<2x64x16xf32, #tpu.memory_space<vmem>>, vector<1x64x16xf32>
    %get3A_8 = vector.shape_cast %get3A_7 : vector<1x64x16xf32> to vector<64x16xf32>
    %add3A = arith.addf %get3A_3, %get3A_8 : vector<64x16xf32>
    %get3A_9 = arith.constant 0 : index
    %get3A_10 = arith.constant 0 : index
    %get3A_11 = vector.load %arg5[%get3A_9, %get3A_10] : memref<16x128xf32, #tpu.memory_space<vmem>>, vector<16x128xf32>
    %dot_general3A = arith.constant dense<0.000000e+00> : vector<64x128xf32>
    %dot_general3A_12 = tpu.matmul %add3A, %get3A_11, %dot_general3A {dimension_numbers = #tpu.dot_dimension_numbers<[1], [0], [0], [1], [0, 0, 1, 1], [], []>, transpose_lhs_hint = false} : vector<64x16xf32>, vector<16x128xf32>, vector<64x128xf32> -> vector<64x128xf32>
    %get3A_13 = arith.constant 0 : index
    %get3A_14 = arith.constant 0 : index
    %get3A_15 = vector.load %arg6[%get3A_13, %get3A_14] : memref<1x128xf32, #tpu.memory_space<vmem>>, vector<1x128xf32>
    %add3A_16 = vector.broadcast %get3A_15 : vector<1x128xf32> to vector<64x128xf32>
    %add3A_17 = arith.addf %dot_general3A_12, %add3A_16 : vector<64x128xf32>
    %get3A_18 = arith.constant 0 : index
    %get3A_19 = arith.constant 0 : index
    %get3A_20 = arith.constant 0 : index
    %get3A_21 = vector.load %arg3[%get3A_18, %get3A_19, %get3A_20] : memref<1x1x64xi32, #tpu.memory_space<vmem>>, vector<1x1x64xi32>
    %get3A_22 = vector.shape_cast %get3A_21 : vector<1x1x64xi32> to vector<1x64xi32>
    %iota3A = tpu.iota {dimensions = array<i32: 0>} : vector<16x64xi32>
    %broadcast_in_dim3A = vector.shape_cast %get3A_22 : vector<1x64xi32> to vector<1x64xi32>
    %broadcast_in_dim3A_23 = vector.broadcast %broadcast_in_dim3A : vector<1x64xi32> to vector<16x64xi32>
    %eq3A = arith.cmpi eq, %iota3A, %broadcast_in_dim3A_23 : vector<16x64xi32>
    %convert_element_type3A = arith.extui %eq3A : vector<16x64xi1> to vector<16x64xi32>
    %convert_element_type3A_24 = arith.sitofp %convert_element_type3A : vector<16x64xi32> to vector<16x64xf32>
    %get3A_25 = arith.constant 0 : index
    %get3A_26 = arith.constant 0 : index
    %get3A_27 = vector.load %arg8[%get3A_25, %get3A_26] : memref<16x128xf32, #tpu.memory_space<vmem>>, vector<16x128xf32>
    %dot_general3A_28 = arith.constant dense<0.000000e+00> : vector<64x128xf32>
    %dot_general3A_29 = tpu.matmul %convert_element_type3A_24, %get3A_27, %dot_general3A_28 {dimension_numbers = #tpu.dot_dimension_numbers<[0], [0], [1], [1], [0, 1, 1, 1], [], []>, transpose_lhs_hint = false} : vector<16x64xf32>, vector<16x128xf32>, vector<64x128xf32> -> vector<64x128xf32>
    %get3A_30 = arith.constant 0 : index
    %get3A_31 = arith.constant 0 : index
    %get3A_32 = arith.constant 0 : index
    %get3A_33 = vector.load %arg1[%get3A_30, %get3A_31, %get3A_32] : memref<1x1x3584xi32, #tpu.memory_space<vmem>>, vector<1x1x3584xi32>
    %get3A_34 = vector.shape_cast %get3A_33 : vector<1x1x3584xi32> to vector<1x3584xi32>
    %get3A_35 = arith.constant 0 : index
    %get3A_36 = arith.constant 0 : index
    %get3A_37 = arith.constant 0 : index
    %get3A_38 = vector.load %arg2[%get3A_35, %get3A_36, %get3A_37] : memref<1x1x3584xi32, #tpu.memory_space<vmem>>, vector<1x1x3584xi32>
    %get3A_39 = vector.shape_cast %get3A_38 : vector<1x1x3584xi32> to vector<1x3584xi32>
    %iota3A_40 = tpu.iota {dimensions = array<i32: 0>} : vector<48x3584xi32>
    %eq3A_41 = vector.broadcast %get3A_34 : vector<1x3584xi32> to vector<48x3584xi32>
    %eq3A_42 = arith.cmpi eq, %iota3A_40, %eq3A_41 : vector<48x3584xi32>
    %convert_element_type3A_43 = arith.extui %eq3A_42 : vector<48x3584xi1> to vector<48x3584xi32>
    %convert_element_type3A_44 = arith.sitofp %convert_element_type3A_43 : vector<48x3584xi32> to vector<48x3584xf32>
    %sub3A = arith.constant 32 : i32
    %sub3A_45 = vector.broadcast %sub3A : i32 to vector<48x3584xi32>
    %sub3A_46 = arith.subi %iota3A_40, %sub3A_45 : vector<48x3584xi32>
    %eq3A_47 = vector.broadcast %get3A_39 : vector<1x3584xi32> to vector<48x3584xi32>
    %eq3A_48 = arith.cmpi eq, %sub3A_46, %eq3A_47 : vector<48x3584xi32>
    %convert_element_type3A_49 = arith.extui %eq3A_48 : vector<48x3584xi1> to vector<48x3584xi32>
    %convert_element_type3A_50 = arith.sitofp %convert_element_type3A_49 : vector<48x3584xi32> to vector<48x3584xf32>
    %add3A_51 = arith.addf %convert_element_type3A_44, %convert_element_type3A_50 : vector<48x3584xf32>
    %get3A_52 = arith.constant 0 : index
    %get3A_53 = arith.constant 0 : index
    %get3A_54 = vector.load %arg7[%get3A_52, %get3A_53] : memref<48x128xf32, #tpu.memory_space<vmem>>, vector<48x128xf32>
    %dot_general3A_55 = arith.constant dense<0.000000e+00> : vector<3584x128xf32>
    %dot_general3A_56 = tpu.matmul %add3A_51, %get3A_54, %dot_general3A_55 {dimension_numbers = #tpu.dot_dimension_numbers<[0], [0], [1], [1], [0, 1, 1, 1], [], []>, transpose_lhs_hint = false} : vector<48x3584xf32>, vector<48x128xf32>, vector<3584x128xf32> -> vector<3584x128xf32>
    %broadcast_in_dim3A_57 = arith.constant 1.000000e+00 : f32
    %broadcast_in_dim3A_58 = vector.broadcast %broadcast_in_dim3A_57 : f32 to vector<1x128xf32>
    %eq3A_59 = arith.constant 5 : i32
    %eq3A_60 = vector.broadcast %eq3A_59 : i32 to vector<1x3584xi32>
    %eq3A_61 = arith.cmpi eq, %get3A_39, %eq3A_60 : vector<1x3584xi32>
    %convert_element_type3A_62 = arith.extui %eq3A_61 : vector<1x3584xi1> to vector<1x3584xi32>
    %convert_element_type3A_63 = arith.sitofp %convert_element_type3A_62 : vector<1x3584xi32> to vector<1x3584xf32>
    %dot_general3A_64 = arith.constant dense<0.000000e+00> : vector<3584x128xf32>
    %dot_general3A_65 = tpu.matmul %convert_element_type3A_63, %broadcast_in_dim3A_58, %dot_general3A_64 {dimension_numbers = #tpu.dot_dimension_numbers<[0], [0], [1], [1], [0, 1, 1, 1], [], []>, transpose_lhs_hint = false} : vector<1x3584xf32>, vector<1x128xf32>, vector<3584x128xf32> -> vector<3584x128xf32>
    %reshape3A = vector.shape_cast %dot_general3A_56 : vector<3584x128xf32> to vector<64x56x128xf32>
    %broadcast_in_dim3A_66 = vector.shape_cast %dot_general3A_29 : vector<64x128xf32> to vector<64x1x128xf32>
    %add3A_67 = vector.broadcast %broadcast_in_dim3A_66 : vector<64x1x128xf32> to vector<64x56x128xf32>
    %add3A_68 = arith.addf %reshape3A, %add3A_67 : vector<64x56x128xf32>
    %get3A_69 = arith.constant 0 : index
    %get3A_70 = arith.constant 0 : index
    %get3A_71 = vector.load %arg9[%get3A_69, %get3A_70] : memref<56x128xf32, #tpu.memory_space<vmem>>, vector<56x128xf32>
    %broadcast_in_dim3A_72 = vector.shape_cast %get3A_71 : vector<56x128xf32> to vector<1x56x128xf32>
    %add3A_73 = vector.broadcast %broadcast_in_dim3A_72 : vector<1x56x128xf32> to vector<64x56x128xf32>
    %add3A_74 = arith.addf %add3A_68, %add3A_73 : vector<64x56x128xf32>
    %reshape3A_75 = vector.shape_cast %dot_general3A_65 : vector<3584x128xf32> to vector<64x56x128xf32>
    %broadcast_in_dim3A_76 = vector.shape_cast %add3A_17 : vector<64x128xf32> to vector<64x1x128xf32>
    %mul3A = vector.broadcast %broadcast_in_dim3A_76 : vector<64x1x128xf32> to vector<64x56x128xf32>
    %mul3A_77 = arith.mulf %reshape3A_75, %mul3A : vector<64x56x128xf32>
    %add3A_78 = arith.addf %add3A_74, %mul3A_77 : vector<64x56x128xf32>
    %reshape3A_79 = vector.shape_cast %add3A_78 : vector<64x56x128xf32> to vector<3584x128xf32>
    %broadcast_in_dim3A_80 = arith.constant 1.000000e+00 : f32
    %broadcast_in_dim3A_81 = vector.broadcast %broadcast_in_dim3A_80 : f32 to vector<128x1xf32>
    %dot_general3A_82 = arith.constant dense<0.000000e+00> : vector<3584x1xf32>
    %dot_general3A_83 = tpu.matmul %reshape3A_79, %broadcast_in_dim3A_81, %dot_general3A_82 {dimension_numbers = #tpu.dot_dimension_numbers<[1], [0], [0], [1], [0, 0, 1, 1], [], []>, transpose_lhs_hint = false} : vector<3584x128xf32>, vector<128x1xf32>, vector<3584x1xf32> -> vector<3584x1xf32>
    %mul3A_84 = arith.mulf %reshape3A_79, %reshape3A_79 : vector<3584x128xf32>
    %dot_general3A_85 = arith.constant dense<0.000000e+00> : vector<3584x1xf32>
    %dot_general3A_86 = tpu.matmul %mul3A_84, %broadcast_in_dim3A_81, %dot_general3A_85 {dimension_numbers = #tpu.dot_dimension_numbers<[1], [0], [0], [1], [0, 0, 1, 1], [], []>, transpose_lhs_hint = false} : vector<3584x128xf32>, vector<128x1xf32>, vector<3584x1xf32> -> vector<3584x1xf32>
    %mul3A_87 = arith.constant 7.812500e-03 : f32
    %mul3A_88 = vector.broadcast %mul3A_87 : f32 to vector<3584x1xf32>
    %mul3A_89 = arith.mulf %dot_general3A_83, %mul3A_88 : vector<3584x1xf32>
    %mul3A_90 = arith.constant 7.812500e-03 : f32
    %mul3A_91 = vector.broadcast %mul3A_90 : f32 to vector<3584x1xf32>
    %mul3A_92 = arith.mulf %dot_general3A_86, %mul3A_91 : vector<3584x1xf32>
    %mul3A_93 = arith.mulf %mul3A_89, %mul3A_89 : vector<3584x1xf32>
    %sub3A_94 = arith.subf %mul3A_92, %mul3A_93 : vector<3584x1xf32>
    %add3A_95 = arith.constant 9.99999996E-13 : f32
    %add3A_96 = vector.broadcast %add3A_95 : f32 to vector<3584x1xf32>
    %add3A_97 = arith.addf %sub3A_94, %add3A_96 : vector<3584x1xf32>
    %rsqrt3A = math.rsqrt %add3A_97 : vector<3584x1xf32>
    %get3A_98 = arith.constant 0 : index
    %get3A_99 = arith.constant 0 : index
    %get3A_100 = vector.load %arg10[%get3A_98, %get3A_99] : memref<1x128xf32, #tpu.memory_space<vmem>>, vector<1x128xf32>
    %dot_general3A_101 = arith.constant dense<0.000000e+00> : vector<3584x128xf32>
    %dot_general3A_102 = tpu.matmul %rsqrt3A, %get3A_100, %dot_general3A_101 {dimension_numbers = #tpu.dot_dimension_numbers<[1], [0], [0], [1], [0, 0, 1, 1], [], []>, transpose_lhs_hint = false} : vector<3584x1xf32>, vector<1x128xf32>, vector<3584x128xf32> -> vector<3584x128xf32>
    %mul3A_103 = arith.mulf %mul3A_89, %rsqrt3A : vector<3584x1xf32>
    %get3A_104 = arith.constant 0 : index
    %get3A_105 = arith.constant 0 : index
    %get3A_106 = vector.load %arg10[%get3A_104, %get3A_105] : memref<1x128xf32, #tpu.memory_space<vmem>>, vector<1x128xf32>
    %dot_general3A_107 = arith.constant dense<0.000000e+00> : vector<3584x128xf32>
    %dot_general3A_108 = tpu.matmul %mul3A_103, %get3A_106, %dot_general3A_107 {dimension_numbers = #tpu.dot_dimension_numbers<[1], [0], [0], [1], [0, 0, 1, 1], [], []>, transpose_lhs_hint = false} : vector<3584x1xf32>, vector<1x128xf32>, vector<3584x128xf32> -> vector<3584x128xf32>
    %mul3A_109 = arith.mulf %reshape3A_79, %dot_general3A_102 : vector<3584x128xf32>
    %sub3A_110 = arith.subf %mul3A_109, %dot_general3A_108 : vector<3584x128xf32>
    %get3A_111 = arith.constant 0 : index
    %get3A_112 = arith.constant 0 : index
    %get3A_113 = vector.load %arg11[%get3A_111, %get3A_112] : memref<1x128xf32, #tpu.memory_space<vmem>>, vector<1x128xf32>
    %add3A_114 = vector.broadcast %get3A_113 : vector<1x128xf32> to vector<3584x128xf32>
    %add3A_115 = arith.addf %sub3A_110, %add3A_114 : vector<3584x128xf32>
    %reshape3A_116 = vector.shape_cast %add3A_115 : vector<3584x128xf32> to vector<64x56x128xf32>
    %slice3A = vector.extract_strided_slice %reshape3A_116 {offsets = [0, 0, 0], sizes = [64, 50, 128], strides = [1, 1, 1]} : vector<64x56x128xf32> to vector<64x50x128xf32>
    %transpose3A = tpu.transpose %slice3A, [1, 0, 2] : vector<64x50x128xf32> -> vector<50x64x128xf32>
    %swap3A = arith.constant 0 : index
    %swap3A_117 = arith.constant 0 : index
    %swap3A_118 = arith.constant 0 : index
    %swap3A_119 = vector.load %arg12[%swap3A, %swap3A_117, %swap3A_118] : memref<50x64x128xf32, #tpu.memory_space<vmem>>, vector<50x64x128xf32>
    tpu.vector_store %arg12[%swap3A, %swap3A_117, %swap3A_118], %transpose3A {strides = array<i32>} : memref<50x64x128xf32, #tpu.memory_space<vmem>>, vector<50x64x128xf32>,
    return
  }
  func.func @transform_0(%arg0: i32) -> (i32, i32, i32) {
    %c0_i32 = arith.constant 0 : i32
    %c0_i32_0 = arith.constant 0 : i32
    %c0_i32_1 = arith.constant 0 : i32
    return %arg0, %c0_i32, %c0_i32_0 : i32, i32, i32
  }
  func.func @transform_1(%arg0: i32) -> (i32, i32, i32) {
    %c0_i32 = arith.constant 0 : i32
    %c0_i32_0 = arith.constant 0 : i32
    %c0_i32_1 = arith.constant 0 : i32
    return %arg0, %c0_i32, %c0_i32_0 : i32, i32, i32
  }
  func.func @transform_2(%arg0: i32) -> (i32, i32, i32) {
    %c0_i32 = arith.constant 0 : i32
    %c0_i32_0 = arith.constant 0 : i32
    %c0_i32_1 = arith.constant 0 : i32
    return %arg0, %c0_i32, %c0_i32_0 : i32, i32, i32
  }
  func.func @transform_3(%arg0: i32) -> (i32, i32, i32) {
    %c0_i32 = arith.constant 0 : i32
    %c0_i32_0 = arith.constant 0 : i32
    %c0_i32_1 = arith.constant 0 : i32
    return %c0_i32, %arg0, %c0_i32_0 : i32, i32, i32
  }
  func.func @transform_4(%arg0: i32) -> (i32, i32) {
    %c0_i32 = arith.constant 0 : i32
    %c0_i32_0 = arith.constant 0 : i32
    %c0_i32_1 = arith.constant 0 : i32
    return %c0_i32, %c0_i32_0 : i32, i32
  }
  func.func @transform_5(%arg0: i32) -> (i32, i32) {
    %c0_i32 = arith.constant 0 : i32
    %c0_i32_0 = arith.constant 0 : i32
    %c0_i32_1 = arith.constant 0 : i32
    return %c0_i32, %c0_i32_0 : i32, i32
  }
  func.func @transform_6(%arg0: i32) -> (i32, i32) {
    %c0_i32 = arith.constant 0 : i32
    %c0_i32_0 = arith.constant 0 : i32
    %c0_i32_1 = arith.constant 0 : i32
    return %c0_i32, %c0_i32_0 : i32, i32
  }
  func.func @transform_7(%arg0: i32) -> (i32, i32) {
    %c0_i32 = arith.constant 0 : i32
    %c0_i32_0 = arith.constant 0 : i32
    %c0_i32_1 = arith.constant 0 : i32
    return %c0_i32, %c0_i32_0 : i32, i32
  }
  func.func @transform_8(%arg0: i32) -> (i32, i32) {
    %c0_i32 = arith.constant 0 : i32
    %c0_i32_0 = arith.constant 0 : i32
    %c0_i32_1 = arith.constant 0 : i32
    return %c0_i32, %c0_i32_0 : i32, i32
  }
  func.func @transform_9(%arg0: i32) -> (i32, i32) {
    %c0_i32 = arith.constant 0 : i32
    %c0_i32_0 = arith.constant 0 : i32
    %c0_i32_1 = arith.constant 0 : i32
    return %c0_i32, %c0_i32_0 : i32, i32
  }
  func.func @transform_10(%arg0: i32) -> (i32, i32) {
    %c0_i32 = arith.constant 0 : i32
    %c0_i32_0 = arith.constant 0 : i32
    %c0_i32_1 = arith.constant 0 : i32
    return %c0_i32, %c0_i32_0 : i32, i32
  }
  func.func @transform_11(%arg0: i32) -> (i32, i32, i32) {
    %c0_i32 = arith.constant 0 : i32
    %c0_i32_0 = arith.constant 0 : i32
    %c0_i32_1 = arith.constant 0 : i32
    return %c0_i32, %arg0, %c0_i32_0 : i32, i32, i32
  }
}

</mosaic_0001>

<sc_bundles>
// kernel: kernel.5.cloned.1.call-start
scs
__scs_entry_jumppad:
0x0: {  	(pc) =	sbr.rel $0x88, $3  }
0x1: {  	(tag) =	ssettag $0x0;
	lr =	simm.s32 $0x1  }
0x2: {  	[smem:$0x3F91] =	sst lr;
	_ =	strace $0xD0000000  }
0x3: {  	_ = 	snop  }
0x4: {  	_ = 	snop  }
0x5: {  	_ = 	snop  }
0x6: {  	_ = 	snop  }
0x7: {  	_ = 	snop  }
__scs_overlays_trampoline_lowered:
0x8: {  	[smem:$0x3FA0] =	sst s0  }
0x9: {  	[smem:$0x3FA1] =	sst s1  }
0xa: {  	[smem:$0x3FA2] =	sst s2  }
0xb: {  	[smem:$0x3FA3] =	sst s3  }
0xc: {  	[smem:$0x3FA4] =	sst s4  }
0xd: {  	[smem:$0x3FA5] =	sst s5  }
0xe: {  	[smem:$0x3FA6] =	sst s6  }
0xf: {  	[smem:$0x3FA7] =	sst s7  }
0x10: {  	[smem:$0x3FA8] =	sst s8  }
0x11: {  	[smem:$0x3FA9] =	sst s9;
	s0 =	simm.s32 @!p0 $0x0  }
0x12: {  	s1 =	sld [smem:$0x3F8F];
	s0 =	simm.s32 @p0 $0x1  }
0x13: {  	[smem:$0x3FAA] =	sst s0;
	s0 =	simm.s32 @!p1 $0x0  }
0x14: {  	s2 =	sld [smem:$0x3F8E];
	s0 =	simm.s32 @p1 $0x1  }
0x15: {  	[smem:$0x3FAB] =	sst s0;
	s0 =	simm.s32 @!p2 $0x0  }
0x16: {  	s3 =	sld [smem:$0x3FDB];
	s0 =	simm.s32 @p2 $0x1  }
0x17: {  	s4 =	simm.s32 $0x1BF5;
	[smem:$0x3FAD] =	sst s0  }
0x18: {  	s0 =	sld [smem:$0x3F90];
	_ =	swait.ge [sflag:s4], $0x0  }
0x19: {  	s7 =	sld [smem:$0x3F91]  }
0x1a: {  	s8 =	sadd.s32 $0xFFFFE003, lr  }
0x1b: {  	s9 =	sadd.s32 $0xFFFFFEF7, lr;
	s5 =	simm.s32 $0xFFFFFFFF;
	p2 =	slt.u32 s8, $0xFFFFF086  }
0x1c: {  	p1 =	slt.u32 s9, $0xF7A;
	s5 =	simm.s32 @!p2 $0x0  }
0x1d: {  	s5 =	simm.s32 @p1 $0x1;
	p0 =	seq.s32 s7, s2  }
0x1e: {  	s7 =	smul.u32 @!p0 $0xF7A, s2;
	p2 =	seq.s32 @!p0 s5, $0x0  }
0x1f: {  	s9 =	smul.u32 $0xF7A, s1;
	s8 =	simm.s32 @!p0 $0x1BF5;
	p2 =	por !p2, p0  }
0x20: {  	[sflag:s8] =	ssyncset.s32 @!p0 $0xFFFFF086;
	s6 =	sadd.s32 @!p0 s3, s7;
	s7 =	simm.s32 @!p0 $0x108  }
0x21: {  	s3 =	sadd.s32 s3, s9;
	s6 =	sadd.s32 @!p0 $0x88, s6;
	s7 =	simm.s32 @p2 $0x1082  }
0x22: {  	[simem:s7], [sflag:s8] =	dma.local @!p0 [hbm:s6], $0xF7A  }
0x23: {  	s9 =	sor.u32 $0xD0000000, s2;
	s6 =	simm.s32 $0x108;
	_ =	swait.ge @!p0 [sflag:s8], $0x0  }
0x24: {  	s3 =	sadd.s32 $0x88, s3;
	s6 =	simm.s32 @!p1 $0x1082;
	[sflag:s4] =	ssyncset.s32 $0xFFFFF086  }
0x25: {  	[simem:s6], [sflag:s4] =	dma.local [hbm:s3], $0xF7A  }
0x26: {  	[smem:$0x3F91] =	sst s1;
	(tag) =	ssettag s2;
	_ =	strace s9  }
0x27: {  	s1 =	sld [smem:$0x3FA1]  }
0x28: {  	s2 =	sld [smem:$0x3FA2]  }
0x29: {  	s4 =	sld [smem:$0x3FA4]  }
0x2a: {  	p0 =	seq.s32 s5, $0x0;
	s5 =	sld [smem:$0x3FA5]  }
0x2b: {  	s6 =	sld [smem:$0x3FA6]  }
0x2c: {  	s7 =	sld [smem:$0x3FA7]  }
0x2d: {  	s3 =	simm.s32 $0x108;
	s8 =	sld [smem:$0x3FA8]  }
0x2e: {  	s3 =	simm.s32 @!p0 $0x1082;
	s9 =	sld [smem:$0x3FA9]  }
0x2f: {  	lr =	sadd.s32 s0, s3;
	s0 =	sld [smem:$0x3FA0]  }
0x30: {  	s3 =	sld [smem:$0x3FA3]  }
0x31: {  	[smem:$0x3FAC] =	sst s10  }
0x32: {  	s10 =	sld [smem:$0x3FAA];
	_ =	sdelay $0x3  }
0x33: {  	p0 =	seq.s32 s10, $0x1;
	s10 =	sld [smem:$0x3FAC];
	_ =	sdelay $0x3  }
0x34: {  	[smem:$0x3FAC] =	sst s10  }
0x35: {  	s10 =	sld [smem:$0x3FAB];
	_ =	sdelay $0x3  }
0x36: {  	p1 =	seq.s32 s10, $0x1;
	s10 =	sld [smem:$0x3FAC];
	_ =	sdelay $0x3  }
0x37: {  	[smem:$0x3FAC] =	sst s10  }
0x38: {  	s10 =	sld [smem:$0x3FAD]  }
0x39: {  	_ = 	snop;
	(pc) =	sbr.ind lr, $3  }
0x3a: {  	_ = 	snop  }
0x3b: {  	_ = 	snop  }
0x3c: {  	p2 =	seq.s32 s10, $0x1;
	s10 =	sld [smem:$0x3FAC]  }
0x3d: {  	_ =	shalt  }
0x3e: {  	_ =	shalt  }
0x3f: {  	_ =	shalt  }
0x40: {  	_ =	shalt  }
0x41: {  	_ =	shalt  }
0x42: {  	_ =	shalt  }
0x43: {  	_ =	shalt  }
0x44: {  	_ =	shalt  }
0x45: {  	_ =	shalt  }
0x46: {  	_ =	shalt  }
0x47: {  	_ =	shalt  }
0x48: {  	_ =	shalt  }
0x49: {  	_ =	shalt  }
0x4a: {  	_ =	shalt  }
0x4b: {  	_ =	shalt  }
0x4c: {  	_ =	shalt  }
0x4d: {  	_ =	shalt  }
0x4e: {  	_ =	shalt  }
0x4f: {  	_ =	shalt  }
0x50: {  	_ =	shalt  }
0x51: {  	_ =	shalt  }
0x52: {  	_ =	shalt  }
0x53: {  	_ =	shalt  }
0x54: {  	_ =	shalt  }
0x55: {  	_ =	shalt  }
0x56: {  	_ =	shalt  }
0x57: {  	_ =	shalt  }
0x58: {  	_ =	shalt  }
0x59: {  	_ =	shalt  }
0x5a: {  	_ =	shalt  }
0x5b: {  	_ =	shalt  }
0x5c: {  	_ =	shalt  }
0x5d: {  	_ =	shalt  }
0x5e: {  	_ =	shalt  }
0x5f: {  	_ =	shalt  }
0x60: {  	_ =	shalt  }
0x61: {  	_ =	shalt  }
0x62: {  	_ =	shalt  }
0x63: {  	_ =	shalt  }
0x64: {  	_ =	shalt  }
0x65: {  	_ =	shalt  }
0x66: {  	_ =	shalt  }
0x67: {  	_ =	shalt  }
0x68: {  	_ =	shalt  }
0x69: {  	_ =	shalt  }
0x6a: {  	_ =	shalt  }
0x6b: {  	_ =	shalt  }
0x6c: {  	_ =	shalt  }
0x6d: {  	_ =	shalt  }
0x6e: {  	_ =	shalt  }
0x6f: {  	_ =	shalt  }
0x70: {  	_ =	shalt  }
0x71: {  	_ =	shalt  }
0x72: {  	_ =	shalt  }
0x73: {  	_ =	shalt  }
0x74: {  	_ =	shalt  }
0x75: {  	_ =	shalt  }
0x76: {  	_ =	shalt  }
0x77: {  	_ =	shalt  }
0x78: {  	_ =	shalt  }
0x79: {  	_ =	shalt  }
0x7a: {  	_ =	shalt  }
0x7b: {  	_ =	shalt  }
0x7c: {  	_ =	shalt  }
0x7d: {  	_ =	shalt  }
0x7e: {  	_ =	shalt  }
0x7f: {  	_ =	shalt  }
0x80: {  	_ =	shalt  }
0x81: {  	_ =	shalt  }
0x82: {  	_ =	shalt  }
0x83: {  	_ =	shalt  }
0x84: {  	_ =	shalt  }
0x85: {  	_ =	shalt  }
0x86: {  	_ =	shalt  }
0x87: {  	_ =	shalt  }
.Lfunc_end0:
.L_simem_size_0:
called_computation_lowered:
.L_overlay_start_0:
0x88: {  	s2 =	sld [smem:$0x3FD9]  }
0x89: {  	s3 =	sld [smem:$0x3FFE];
	_ =	sdelay $0x1  }
0x8a: {  	s1 =	srdreg.scid  }
0x8b: {  	s0 =	sand.u32 $0x1, s1  }
0x8c: {  	s17 =	sshll.u32 s0, $0xA;
	s2 =	sadd.s32 s3, s2  }
0x8d: {  	s2 =	sadd.s32 s2, s17  }
0x8e: {  	[smem:$0x3FB8] =	sst s2  }
0x8f: {  	_ = 	snop  }
0x90: {  	s2 =	sld [smem:$0x3FC5]  }
0x91: {  	s18 =	sld [smem:$0x3FC4]  }
0x92: {  	s4 =	sld [smem:$0x3FBE]  }
0x93: {  	s5 =	sld [smem:$0x3FD0];
	(tm) =	ssettm $0x1  }
0x94: {  	s6 =	sld [smem:$0x3FFB];
	_ =	sdelay $0x3  }
0x95: {  	_ =	strace s6  }
0x96: {  	s6 =	sld [smem:$0x3FFC];
	_ =	sdelay $0x3  }
0x97: {  	_ =	strace s6  }
0x98: {  	s6 =	sld [smem:$0x3FFD];
	_ =	sdelay $0x3  }
0x99: {  	_ =	strace s6  }
0x9a: {  	_ =	strace $0x8FFFFFFF  }
0x9b: {  	s19 =	sld [smem:$0x3FDB];
	_ =	sdelay $0x1  }
0x9c: {  	s7 =	simm.s32 $_scs_section_size  }
0x9d: {  	s8 =	simm.s32 $_size__tile_overlayer_lowered;
	s9 =	simm.s32 $_tile_overlayer_lowered  }
0x9e: {  	s22 =	simm.s32 $0x1BFF;
	s21 =	sshll.u32 s9, $0x1;
	s6 =	sadd.s32 s7, s19  }
0x9f: {  	s10 =	simm.s32 $0x0;
	s20 =	sshll.u32 s8, $0x1;
	s8 =	sadd.s32 s21, s6  }
0xa0: {  	[timem:s10], [sflag:s22] =	dma.local [hbm:s8], s20  }
0xa1: {  	_ =	swait.ge [sflag:s22], s20  }
0xa2: {  	s7 =	ssub.s32 $0x0, s20;
	[sflag:s22] =	ssyncset.done $0x0  }
0xa3: {  	[sflag:s22] =	ssyncadd.s32 s7;
	_ =	sdelay $0x1  }
0xa4: {  	s23 =	simm.s32 $0x1B8B  }
0xa5: {  	_ =	swait.ge [sflag:s23], $0x1  }
0xa6: {  	[sflag:s23] =	ssyncset.done $0x0  }
0xa7: {  	s25 =	simm.s32 $0x1B8E;
	s24 =	sld [smem:$0x3FFE];
	[sflag:s23] =	ssyncadd.s32 $0xFFFFFFFF  }
0xa8: {  	s26 =	simm.s32 $execute0_lowered;
	[smem:$0x3FD2] =	sst s25  }
0xa9: {  	s8 =	sshll.u32 s26, $0x1;
	_ =	strace $0x80000046;
	[dreg:$0x1] =	wrdreg $0xFFFFFFFF  }
0xaa: {  	s28 =	simm.s32 $_size_execute0_lowered;
	s6 =	sadd.s32 s6, s8;
	[dreg:$0x0] =	wrdreg $0x0  }
0xab: {  	s8 =	sshll.u32 s28, $0x1;
	[dreg:$0x2] =	wrdreg s6  }
0xac: {  	[dreg:$0x3] =	wrdreg s8  }
0xad: {  	[dreg:$0x4] =	wrdreg $0xC0  }
0xae: {  	_ =	task [dreg:s10], $0x5FFFF  }
0xaf: {  	[dreg:$0x1] =	wrdreg $0xFFFFFFFF  }
0xb0: {  	[dreg:$0x0] =	wrdreg $0x60  }
0xb1: {  	[dreg:$0x2] =	wrdreg s5  }
0xb2: {  	[dreg:$0x3] =	wrdreg s2  }
0xb3: {  	[dreg:$0x4] =	wrdreg s18  }
0xb4: {  	[dreg:$0x5] =	wrdreg s4  }
0xb5: {  	[dreg:$0x6] =	wrdreg s24  }
0xb6: {  	[dreg:$0x7] =	wrdreg $0xED100  }
0xb7: {  	[dreg:$0x8] =	wrdreg $0x13D100  }
0xb8: {  	[dreg:$0x9] =	wrdreg $0x9  }
0xb9: {  	_ =	task.clear_ibuf [dreg:s10], $0xAFFFF;
	_ =	strace $0x90000046  }
0xba: {  	s29 =	simm.s32 $0x9;
	_ =	strace $0x80000048  }
0xbb: {  	_ =	swait.ge [sflag:s29], $0x1  }
0xbc: {  	[sflag:s29] =	ssyncadd.s32 $0xFFFFFFFF  }
0xbd: {  	_ =	strace $0x90000048  }
0xbe: {  	_ =	sfence  }
0xbf: {  	s30 =	sld [smem:$0x0];
	_ =	sdelay $0x2  }
0xc0: {  	s31 =	sshll.u32 s1, $0xD;
	s1 =	sshrl.u32 s1, $0x2  }
0xc1: {  	s3 =	sand.u32 $0x4000, s31;
	s1 =	sadd.s32 s1, s30  }
0xc2: {  	s0 =	sor.u32 s3, s0;
	s1 =	sshll.u32 s1, $0x11  }
0xc3: {  	s0 =	sor.u32 s1, s0  }
0xc4: {  	s0 =	sadd.s32 $0x8F2B, s0  }
0xc5: {  	[sflag:s0] =	ssyncadd.remote.s32 $0x1  }
0xc6: {  	_ =	sfence.sel $0xFFFF  }
0xc7: {  	[dreg:$0x0] =	wrdreg $0xFFFFFFFF;
	(pc) =	sbr.abs _section_cstart, $3  }
0xc8: {  	[dreg:$0x1] =	wrdreg $0xFFFFFFFF  }
0xc9: {  	_ =	task.clear_ibuf [dreg:s10], $0x2FFFF;
	_ =	strace $0x9FFFFFFF  }
0xca: {  	(tm) =	ssettm $0x7FFFFFFF  }
0xcb: {  	_ =	shalt  }
tec
execute0_lowered:
.L_overlay_start_1:
0x0: {  	(tag) =	ssettag $0x1  }
0x1: {  	s0 =	rddreg [dreg:$0x0]  }
0x2: {  	s1 =	rddreg [dreg:$0x1]  }
0x3: {  	s2 =	rddreg [dreg:$0x2]  }
0x4: {  	s4 =	rddreg [dreg:$0x4]  }
0x5: {  	s3 =	rddreg [dreg:$0x5]  }
0x6: {  	s5 =	rddreg [dreg:$0x6];
	s7 =	srdreg.scid  }
0x7: {  	s6 =	simm.s32 $0x0;
	s13 =	stileid.u32;
	s29 =	simm.s32 $0x2800  }
0x8: {  	s30 =	simm.s32 $0x80;
	s28 =	simm.s32 $0x3800;
	s12 =	smul.u32 $0x5000, s13  }
0x9: {  	s31 =	simm.s32 $0x1;
	s7 =	sand.u32 $0x1, s7;
	s10 =	smul.u32 $0x500, s13  }
0xa: {  	[smem:$0x7FF] =	sst s6;
	s8 =	sshll.u32 s13, $0xA;
	s11 =	smul.u32 $0x14000, s13  }
0xb: {  	s13 =	smul.u32 $0xA0, s13;
	s9 =	sshll.u32 s7, $0xE;
	s7 =	ssub.s32 $0x2, s7  }
0xc: {  	_ =	strace $0x80000047;
	s9 =	sor.u32 s8, s9;
	s21 =	sshrl.u32 s7, $0x1  }
0xd: {  	s22 =	sshrl.u32 s12, $0x3;
	s1 =	sadd.s32 s1, s10;
	s23 =	sshrl.u32 s11, $0x2  }
0xe: {  	s2 =	sadd.s32 s2, s13;
	s11 =	sadd.s32 s8, s5;
	s24 =	sadd.s32 s12, s3  }
0xf: {  	s8 =	simm.s32 $0x0;
	s9 =	sshrl.u32 s9, $0x3;
	[dreg:$0x9] =	wrdreg s1  }
0x10: {  	s7 =	ssub.s32 s7, s21;
	[dreg:$0xa] =	wrdreg s2;
	s10 =	sadd.s32 s23, s3  }
0x11: {  	[dreg:$0xb] =	wrdreg s24;
	s24 =	simm.s32 $0x4800;
	s1 =	simm.s32 $0x3000  }
0x12: {  	s2 =	simm.s32 $0x4000;
	s4 =	sadd.s32 s9, s4;
	s9 =	sadd.s32 s0, s22  }
0x13: {  	s26 =	smax.u32 s7, $0x1;
	s15 =	sadd.s32 $0x800, s10;
	s16 =	sadd.s32 $0x1000, s10  }
0x14: {  	s17 =	sadd.s32 $0x1800, s10;
	s18 =	sadd.s32 $0x2000, s10;
	s19 =	sadd.s32 $0x2800, s10  }
0x15: {  	s20 =	sadd.s32 $0x3000, s10;
	s21 =	sadd.s32 $0x3800, s10;
	s22 =	sadd.s32 $0x4000, s10  }
0x16: {  	s23 =	sadd.s32 $0x4800, s10;
	s7 =	simm.s32 $0x3;
	[dreg:$0x8] =	wrdreg s9  }
0x17: {  	s25 =	sadd.s32 $0x1C00, s4;
	[dreg:$0xd] =	wrdreg s26;
	s26 =	simm.s32 $0xE800  }
0x18: {  	v0 =	vimm.f32 $0.0e+00;
	s4 =	simm.s32 $0x2;
	[dreg:$0xc] =	wrdreg s25;
	s25 =	simm.s32 $0x4  }
.LBB2_1:
0x19: {  	s9 =	rddreg [dreg:$0x8]  }
0x1a: {  	[tilespmem:s24], [sflag:$0x3] =	stream.linear.gather [hbm4b:s9+s6], $0x5000, $0x38;
	[tilespmem:$0x14110] =	vst v63  }
0x1b: {  	s12 =	rddreg [dreg:$0x9]  }
0x1c: {  	[tilespmem:s6], [sflag:$0x4] =	stream.linear.gather [hbm4b:s12+s6], $0x2800, $0x38;
	[tilespmem:$0x14110] =	vst v63  }
0x1d: {  	_ =	swait.ge [sflag:s25], $0x2800  }
0x1e: {  	[sflag:s25] =	ssyncset.done $0x0  }
0x1f: {  	s13 =	rddreg [dreg:$0xa];
	[sflag:s25] =	ssyncadd.s32 $0xFFFFD800  }
0x20: {  	[tilespmem:s26], [sflag:$0x4] =	stream.linear.gather [hbm4b:s13+s6], $0x500, $0x38;
	[tilespmem:$0x14110] =	vst v63  }
0x21: {  	_ =	swait.ge [sflag:s25], $0x500  }
0x22: {  	[sflag:s25] =	ssyncset.done $0x0  }
0x23: {  	[sflag:s25] =	ssyncadd.s32 $0xFFFFFB00  }
0x24: {  	s12 =	simm.s32 $0xED00;
	s14 =	rddreg [dreg:$0x3]  }
0x25: {  	[tilespmem:s12], [sflag:$0x4] =	stream.linear.gather [hbm4b:s14+s6], $0x10, $0x38;
	[tilespmem:$0x14110] =	vst v63  }
0x26: {  	_ =	swait.ge [sflag:s25], $0x10  }
0x27: {  	[sflag:s25] =	ssyncset.done $0x0  }
0x28: {  	s9 =	simm.s32 $0x40;
	s12 =	simm.s32 $0x0;
	[sflag:s25] =	ssyncadd.s32 $0xFFFFFFF0  }
.LBB2_2:
0x29: {  	p0 =	sne.s32 s9, $0x1FC0;
	[tilespmem:s12+$0x2800] =	vst v0;
	s12 =	smov.u32 s9;
	s9 =	sadd.s32 $0x40, s9  }
.Ltmp0:
0x2a: {  	(pc) =	sbr.rel @p0 .LBB2_2-.Ltmp0, $2  }
0x2b: {  	_ =	sdelay $0x2  }
0x2c: {  	s12 =	sshra.s32 s12, $0x2  }
0x2d: {  	[tilespmem:s12+$0x2800] =	vst v0  }
0x2e: {  	[spmem:s10] =	stream.linear.scatter [tilespmem:s29], [sflag:$0x4], $0x800, $0x38;
	[tilespmem:$0x14110] =	vst v63  }
0x2f: {  	_ =	swait.ge [sflag:s25], $0x800  }
0x30: {  	[sflag:s25] =	ssyncset.done $0x0  }
0x31: {  	[sflag:s25] =	ssyncadd.s32 $0xFFFFF800  }
0x32: {  	[spmem:s15] =	stream.linear.scatter [tilespmem:s29], [sflag:$0x4], $0x800, $0x38;
	[tilespmem:$0x14110] =	vst v63  }
0x33: {  	_ =	swait.ge [sflag:s25], $0x800  }
0x34: {  	[sflag:s25] =	ssyncset.done $0x0  }
0x35: {  	[sflag:s25] =	ssyncadd.s32 $0xFFFFF800  }
0x36: {  	[spmem:s16] =	stream.linear.scatter [tilespmem:s29], [sflag:$0x4], $0x800, $0x38;
	[tilespmem:$0x14110] =	vst v63  }
0x37: {  	_ =	swait.ge [sflag:s25], $0x800  }
0x38: {  	[sflag:s25] =	ssyncset.done $0x0  }
0x39: {  	[sflag:s25] =	ssyncadd.s32 $0xFFFFF800  }
0x3a: {  	[spmem:s17] =	stream.linear.scatter [tilespmem:s29], [sflag:$0x4], $0x800, $0x38;
	[tilespmem:$0x14110] =	vst v63  }
0x3b: {  	_ =	swait.ge [sflag:s25], $0x800  }
0x3c: {  	[sflag:s25] =	ssyncset.done $0x0  }
0x3d: {  	[sflag:s25] =	ssyncadd.s32 $0xFFFFF800  }
0x3e: {  	[spmem:s18] =	stream.linear.scatter [tilespmem:s29], [sflag:$0x4], $0x800, $0x38;
	[tilespmem:$0x14110] =	vst v63  }
0x3f: {  	_ =	swait.ge [sflag:s25], $0x800  }
0x40: {  	[sflag:s25] =	ssyncset.done $0x0  }
0x41: {  	[sflag:s25] =	ssyncadd.s32 $0xFFFFF800  }
0x42: {  	[spmem:s19] =	stream.linear.scatter [tilespmem:s29], [sflag:$0x4], $0x800, $0x38;
	[tilespmem:$0x14110] =	vst v63  }
0x43: {  	_ =	swait.ge [sflag:s25], $0x800  }
0x44: {  	[sflag:s25] =	ssyncset.done $0x0  }
0x45: {  	[sflag:s25] =	ssyncadd.s32 $0xFFFFF800  }
0x46: {  	[spmem:s20] =	stream.linear.scatter [tilespmem:s29], [sflag:$0x4], $0x800, $0x38;
	[tilespmem:$0x14110] =	vst v63  }
0x47: {  	_ =	swait.ge [sflag:s25], $0x800  }
0x48: {  	[sflag:s25] =	ssyncset.done $0x0  }
0x49: {  	[sflag:s25] =	ssyncadd.s32 $0xFFFFF800  }
0x4a: {  	[spmem:s21] =	stream.linear.scatter [tilespmem:s29], [sflag:$0x4], $0x800, $0x38;
	[tilespmem:$0x14110] =	vst v63  }
0x4b: {  	_ =	swait.ge [sflag:s25], $0x800  }
0x4c: {  	[sflag:s25] =	ssyncset.done $0x0  }
0x4d: {  	[sflag:s25] =	ssyncadd.s32 $0xFFFFF800  }
0x4e: {  	[spmem:s22] =	stream.linear.scatter [tilespmem:s29], [sflag:$0x4], $0x800, $0x38;
	[tilespmem:$0x14110] =	vst v63  }
0x4f: {  	_ =	swait.ge [sflag:s25], $0x800  }
0x50: {  	[sflag:s25] =	ssyncset.done $0x0  }
0x51: {  	[sflag:s25] =	ssyncadd.s32 $0xFFFFF800  }
0x52: {  	[spmem:s23] =	stream.linear.scatter [tilespmem:s29], [sflag:$0x4], $0x800, $0x38;
	[tilespmem:$0x14110] =	vst v63  }
0x53: {  	_ =	swait.ge [sflag:s25], $0x800  }
0x54: {  	[sflag:s25] =	ssyncset.done $0x0  }
0x55: {  	[sflag:s25] =	ssyncadd.s32 $0xFFFFF800  }
0x56: {  	[spmem:s11] =	stream.linear.scatter [tilespmem:s29], [sflag:$0x4], $0x400, $0x38;
	[tilespmem:$0x14110] =	vst v63  }
0x57: {  	_ =	swait.ge [sflag:s25], $0x400  }
0x58: {  	[sflag:s25] =	ssyncset.done $0x0  }
0x59: {  	[sflag:s25] =	ssyncadd.s32 $0xFFFFFC00  }
0x5a: {  	s9 =	simm.s32 $0x0;
	[bflag:$0x0] =	sbarrier.arrive $0xFFFF  }
0x5b: {  	[tilespmem:s29], [sflag:$0x1] =	stream.indirect.gather [hbm4b:s0+s30], $0x10, s9, s30, $0xb8;
	[tilespmem:$0x14110] =	vst v63  }
0x5c: {  	s14 =	simm.s32 $0x100  }
0x5d: {  	[tilespmem:s1], [sflag:$0x1] =	stream.indirect.gather [hbm4b:s0+s30], $0x10, s14, s30, $0xb8;
	[tilespmem:$0x14110] =	vst v63  }
0x5e: {  	s12 =	simm.s32 $0x200  }
0x5f: {  	[tilespmem:s28], [sflag:$0x1] =	stream.indirect.gather [hbm4b:s0+s30], $0x10, s12, s30, $0xb8;
	[tilespmem:$0x14110] =	vst v63  }
0x60: {  	s13 =	simm.s32 $0x300  }
0x61: {  	[tilespmem:s2], [sflag:$0x1] =	stream.indirect.gather [hbm4b:s0+s30], $0x10, s13, s30, $0xb8;
	[tilespmem:$0x14110] =	vst v63  }
0x62: {  	_ =	swait.ge [sflag:s31], $0x800  }
0x63: {  	[sflag:s31] =	ssyncset.done $0x0  }
0x64: {  	s14 =	simm.s32 $0x80;
	[sflag:s31] =	ssyncadd.s32 $0xFFFFF800  }
0x65: {  	[spmem:s3] =	stream.indirect.scatter.add.f32 [tilespmem:s29], [sflag:$0x2], $0x10, s14, s30, $0xb8;
	[tilespmem:$0x14110] =	vst v63  }
0x66: {  	_ =	swait.ge [sflag:s31], $0x800  }
0x67: {  	[sflag:s31] =	ssyncset.done $0x0  }
0x68: {  	s12 =	simm.s32 $0x180;
	[sflag:s31] =	ssyncadd.s32 $0xFFFFF800  }
0x69: {  	[spmem:s3] =	stream.indirect.scatter.add.f32 [tilespmem:s1], [sflag:$0x2], $0x10, s12, s30, $0xb8;
	[tilespmem:$0x14110] =	vst v63  }
0x6a: {  	_ =	swait.ge [sflag:s31], $0x800  }
0x6b: {  	[sflag:s31] =	ssyncset.done $0x0  }
0x6c: {  	s13 =	simm.s32 $0x280;
	[sflag:s31] =	ssyncadd.s32 $0xFFFFF800  }
0x6d: {  	[spmem:s3] =	stream.indirect.scatter.add.f32 [tilespmem:s28], [sflag:$0x2], $0x10, s13, s30, $0xb8;
	[tilespmem:$0x14110] =	vst v63  }
0x6e: {  	_ =	swait.ge [sflag:s31], $0x800  }
0x6f: {  	[sflag:s31] =	ssyncset.done $0x0  }
0x70: {  	s14 =	simm.s32 $0x380;
	[sflag:s31] =	ssyncadd.s32 $0xFFFFF800  }
0x71: {  	[spmem:s3] =	stream.indirect.scatter.add.f32 [tilespmem:s2], [sflag:$0x2], $0x10, s14, s30, $0xb8;
	[tilespmem:$0x14110] =	vst v63  }
0x72: {  	_ =	swait.ge [sflag:s4], $0x800  }
0x73: {  	[sflag:s4] =	ssyncset.done $0x0  }
0x74: {  	s12 =	simm.s32 $0x400;
	[sflag:s4] =	ssyncadd.s32 $0xFFFFF800  }
0x75: {  	[tilespmem:s29], [sflag:$0x1] =	stream.indirect.gather [hbm4b:s0+s30], $0x10, s12, s30, $0xb8;
	[tilespmem:$0x14110] =	vst v63  }
0x76: {  	_ =	swait.ge [sflag:s4], $0x800  }
0x77: {  	[sflag:s4] =	ssyncset.done $0x0  }
0x78: {  	s13 =	simm.s32 $0x500;
	[sflag:s4] =	ssyncadd.s32 $0xFFFFF800  }
0x79: {  	[tilespmem:s1], [sflag:$0x1] =	stream.indirect.gather [hbm4b:s0+s30], $0x10, s13, s30, $0xb8;
	[tilespmem:$0x14110] =	vst v63  }
0x7a: {  	_ =	swait.ge [sflag:s4], $0x800  }
0x7b: {  	[sflag:s4] =	ssyncset.done $0x0  }
0x7c: {  	s14 =	simm.s32 $0x600;
	[sflag:s4] =	ssyncadd.s32 $0xFFFFF800  }
0x7d: {  	[tilespmem:s28], [sflag:$0x1] =	stream.indirect.gather [hbm4b:s0+s30], $0x10, s14, s30, $0xb8;
	[tilespmem:$0x14110] =	vst v63  }
0x7e: {  	_ =	swait.ge [sflag:s4], $0x800  }
0x7f: {  	[sflag:s4] =	ssyncset.done $0x0  }
0x80: {  	s9 =	simm.s32 $0x1000;
	s12 =	simm.s32 $0x700;
	[sflag:s4] =	ssyncadd.s32 $0xFFFFF800  }
.LBB2_4:
0x81: {  	[tilespmem:s2], [sflag:$0x1] =	stream.indirect.gather [hbm4b:s0+s30], $0x10, s12, s30, $0xb8;
	[tilespmem:$0x14110] =	vst v63  }
0x82: {  	s12 =	smov.u32 s9  }
0x83: {  	p0 =	sne.s32 s9, $0x8000;
	s9 =	sadd.s32 $0x1000, s9;
	_ =	swait.ge [sflag:s31], $0x800  }
0x84: {  	s12 =	sshra.s32 s12, $0x2;
	[sflag:s31] =	ssyncset.done $0x0  }
0x85: {  	s13 =	sadd.s32 $0x80, s12;
	[sflag:s31] =	ssyncadd.s32 $0xFFFFF800  }
0x86: {  	[spmem:s3] =	stream.indirect.scatter.add.f32 [tilespmem:s29], [sflag:$0x2], $0x10, s13, s30, $0xb8;
	[tilespmem:$0x14110] =	vst v63  }
0x87: {  	_ =	swait.ge [sflag:s31], $0x800  }
0x88: {  	[sflag:s31] =	ssyncset.done $0x0  }
0x89: {  	s13 =	sadd.s32 $0x180, s12;
	[sflag:s31] =	ssyncadd.s32 $0xFFFFF800  }
0x8a: {  	[spmem:s3] =	stream.indirect.scatter.add.f32 [tilespmem:s1], [sflag:$0x2], $0x10, s13, s30, $0xb8;
	[tilespmem:$0x14110] =	vst v63  }
0x8b: {  	_ =	swait.ge [sflag:s31], $0x800  }
0x8c: {  	[sflag:s31] =	ssyncset.done $0x0  }
0x8d: {  	s13 =	sadd.s32 $0x280, s12;
	[sflag:s31] =	ssyncadd.s32 $0xFFFFF800  }
0x8e: {  	[spmem:s3] =	stream.indirect.scatter.add.f32 [tilespmem:s28], [sflag:$0x2], $0x10, s13, s30, $0xb8;
	[tilespmem:$0x14110] =	vst v63  }
0x8f: {  	_ =	swait.ge [sflag:s31], $0x800  }
0x90: {  	[sflag:s31] =	ssyncset.done $0x0  }
0x91: {  	s13 =	sadd.s32 $0x380, s12;
	[sflag:s31] =	ssyncadd.s32 $0xFFFFF800  }
0x92: {  	[spmem:s3] =	stream.indirect.scatter.add.f32 [tilespmem:s2], [sflag:$0x2], $0x10, s13, s30, $0xb8;
	[tilespmem:$0x14110] =	vst v63  }
0x93: {  	_ =	swait.ge [sflag:s4], $0x800  }
0x94: {  	[sflag:s4] =	ssyncset.done $0x0  }
0x95: {  	s13 =	sadd.s32 $0x400, s12;
	[sflag:s4] =	ssyncadd.s32 $0xFFFFF800  }
0x96: {  	[tilespmem:s29], [sflag:$0x1] =	stream.indirect.gather [hbm4b:s0+s30], $0x10, s13, s30, $0xb8;
	[tilespmem:$0x14110] =	vst v63  }
0x97: {  	_ =	swait.ge [sflag:s4], $0x800  }
0x98: {  	[sflag:s4] =	ssyncset.done $0x0  }
0x99: {  	s13 =	sadd.s32 $0x500, s12;
	[sflag:s4] =	ssyncadd.s32 $0xFFFFF800  }
0x9a: {  	[tilespmem:s1], [sflag:$0x1] =	stream.indirect.gather [hbm4b:s0+s30], $0x10, s13, s30, $0xb8;
	[tilespmem:$0x14110] =	vst v63  }
0x9b: {  	_ =	swait.ge [sflag:s4], $0x800  }
0x9c: {  	[sflag:s4] =	ssyncset.done $0x0  }
.Ltmp1:
0x9d: {  	s13 =	sadd.s32 $0x600, s12;
	[sflag:s4] =	ssyncadd.s32 $0xFFFFF800;
	(pc) =	sbr.rel @p0 .LBB2_4-.Ltmp1, $4  }
0x9e: {  	[tilespmem:s28], [sflag:$0x1] =	stream.indirect.gather [hbm4b:s0+s30], $0x10, s13, s30, $0xb8;
	[tilespmem:$0x14110] =	vst v63  }
0x9f: {  	_ =	swait.ge [sflag:s4], $0x800  }
0xa0: {  	[sflag:s4] =	ssyncset.done $0x0  }
0xa1: {  	s12 =	sadd.s32 $0x700, s12;
	[sflag:s4] =	ssyncadd.s32 $0xFFFFF800  }
0xa2: {  	[tilespmem:s2], [sflag:$0x1] =	stream.indirect.gather [hbm4b:s0+s30], $0x10, s12, s30, $0xb8;
	[tilespmem:$0x14110] =	vst v63  }
0xa3: {  	_ =	swait.ge [sflag:s31], $0x800  }
0xa4: {  	[sflag:s31] =	ssyncset.done $0x0  }
0xa5: {  	s9 =	simm.s32 $0x2480;
	[sflag:s31] =	ssyncadd.s32 $0xFFFFF800  }
0xa6: {  	[spmem:s3] =	stream.indirect.scatter.add.f32 [tilespmem:s29], [sflag:$0x2], $0x10, s9, s30, $0xb8;
	[tilespmem:$0x14110] =	vst v63  }
0xa7: {  	_ =	swait.ge [sflag:s31], $0x800  }
0xa8: {  	[sflag:s31] =	ssyncset.done $0x0  }
0xa9: {  	s13 =	simm.s32 $0x2580;
	[sflag:s31] =	ssyncadd.s32 $0xFFFFF800  }
0xaa: {  	[spmem:s3] =	stream.indirect.scatter.add.f32 [tilespmem:s1], [sflag:$0x2], $0x10, s13, s30, $0xb8;
	[tilespmem:$0x14110] =	vst v63  }
0xab: {  	_ =	swait.ge [sflag:s31], $0x800  }
0xac: {  	[sflag:s31] =	ssyncset.done $0x0  }
0xad: {  	s14 =	simm.s32 $0x2680;
	[sflag:s31] =	ssyncadd.s32 $0xFFFFF800  }
0xae: {  	[spmem:s3] =	stream.indirect.scatter.add.f32 [tilespmem:s28], [sflag:$0x2], $0x10, s14, s30, $0xb8;
	[tilespmem:$0x14110] =	vst v63  }
0xaf: {  	_ =	swait.ge [sflag:s31], $0x800  }
0xb0: {  	[sflag:s31] =	ssyncset.done $0x0  }
0xb1: {  	s12 =	simm.s32 $0x2780;
	[sflag:s31] =	ssyncadd.s32 $0xFFFFF800  }
0xb2: {  	[spmem:s3] =	stream.indirect.scatter.add.f32 [tilespmem:s2], [sflag:$0x2], $0x10, s12, s30, $0xb8;
	[tilespmem:$0x14110] =	vst v63  }
0xb3: {  	_ =	swait.ge [sflag:s4], $0x800  }
0xb4: {  	[sflag:s4] =	ssyncset.done $0x0  }
0xb5: {  	[sflag:s4] =	ssyncadd.s32 $0xFFFFF800  }
0xb6: {  	_ =	swait.ge [sflag:s4], $0x800  }
0xb7: {  	[sflag:s4] =	ssyncset.done $0x0  }
0xb8: {  	[sflag:s4] =	ssyncadd.s32 $0xFFFFF800  }
0xb9: {  	_ =	swait.ge [sflag:s4], $0x800  }
0xba: {  	[sflag:s4] =	ssyncset.done $0x0  }
0xbb: {  	[sflag:s4] =	ssyncadd.s32 $0xFFFFF800  }
0xbc: {  	_ =	swait.ge [sflag:s4], $0x800  }
0xbd: {  	[sflag:s4] =	ssyncset.done $0x0  }
0xbe: {  	[sflag:s4] =	ssyncadd.s32 $0xFFFFF800  }
0xbf: {  	[bflag:$0x0] =	sbarrier.arrive $0xFFFF  }
0xc0: {  	_ =	swait.ge [sflag:s7], $0x5000  }
0xc1: {  	[sflag:s7] =	ssyncset.done $0x0  }
0xc2: {  	s14 =	simm.s32 $0x9800;
	s13 =	rddreg [dreg:$0xb];
	[sflag:s7] =	ssyncadd.s32 $0xFFFFB000  }
0xc3: {  	[tilespmem:s14], [sflag:$0x4] =	stream.linear.gather [spmem:s13], $0x5000, $0x38;
	[tilespmem:$0x14110] =	vst v63  }
0xc4: {  	_ =	swait.ge [sflag:s25], $0x5000  }
0xc5: {  	[sflag:s25] =	ssyncset.done $0x0  }
0xc6: {  	[sflag:s25] =	ssyncadd.s32 $0xFFFFB000  }
0xc7: {  	s9 =	simm.s32 $0x4840;
	v1 =	vld [tilespmem:$0xED00]  }
0xc8: {  	s12 =	simm.s32 $0x9840;
	v3 =	vld [tilespmem:s9+$0x30]  }
0xc9: {  	v4 =	vld [tilespmem:s12+$0x30]  }
0xca: {  	v2 =	vld [tilespmem:s12+$0xFFFFFFC0]  }
0xcb: {  	v5 =	vld [tilespmem:s9+$0xFFFFFFD0]  }
0xcc: {  	v6 =	vld [tilespmem:s12+$0xFFFFFFD0]  }
0xcd: {  	v7 =	vld [tilespmem:s9+$0xFFFFFFE0]  }
0xce: {  	v8 =	vld [tilespmem:s12+$0xFFFFFFE0]  }
0xcf: {  	v9 =	vld [tilespmem:s9+$0xFFFFFFF0]  }
0xd0: {  	v10 =	vld [tilespmem:s12+$0xFFFFFFF0]  }
0xd1: {  	v11 =	vld [tilespmem:s9+$0x0];
	v3 =	vadd.f32 v4, v3  }
0xd2: {  	v12 =	vld [tilespmem:s12+$0x0];
	v4 =	vadd.f32 v6, v5  }
0xd3: {  	v7 =	vadd.f32 v8, v7;
	v5 =	vld [tilespmem:s12+$0x10];
	v6 =	vadd.f32 v3, v1  }
0xd4: {  	v3 =	vld [tilespmem:s9+$0x10];
	v8 =	vadd.f32 v4, v1  }
0xd5: {  	v10 =	vadd.f32 v10, v9;
	v13 =	vadd.f32 v7, v1;
	v4 =	vld [tilespmem:s9+$0x20];
	v6 =	vmax.f32 v6, $0.0e+00  }
0xd6: {  	v7 =	vld [tilespmem:s12+$0x20];
	[tilespmem:s9+$0x30] =	vst v6;
	v6 =	vmax.f32 v8, $0.0e+00  }
0xd7: {  	s13 =	simm.s32 $0x0;
	s14 =	simm.s32 $0x48C0;
	v9 =	vmax.f32 v13, $0.0e+00;
	v8 =	vadd.f32 v10, v1;
	v10 =	vadd.f32 v12, v11;
	[tilespmem:s9+$0xFFFFFFD0] =	vst v6;
	v6 =	vld [tilespmem:s9+$0xFFFFFFC0]  }
.LBB2_6:
0xd8: {  	v11 =	vld [tilespmem:s14+$0x30];
	[tilespmem:s9+$0xFFFFFFE0] =	vst v9;
	s12 =	sadd.s32 $0x80, s12  }
0xd9: {  	s13 =	sadd.s32 $0x8, s13;
	v9 =	vld [tilespmem:s12+$0x30];
	v8 =	vmax.f32 v8, $0.0e+00;
	v10 =	vadd.f32 v10, v1;
	v3 =	vadd.f32 v5, v3  }
0xda: {  	p0 =	slt.u32 s13, $0x4F8;
	v5 =	vld [tilespmem:s12+$0xFFFFFFC0];
	[tilespmem:s9+$0xFFFFFFF0] =	vst v8  }
0xdb: {  	v8 =	vld [tilespmem:s14+$0xFFFFFFD0];
	v10 =	vmax.f32 v10, $0.0e+00;
	v3 =	vadd.f32 v3, v1;
	v4 =	vadd.f32 v7, v4  }
0xdc: {  	v7 =	vld [tilespmem:s12+$0xFFFFFFD0];
	v13 =	vadd.f32 v2, v6;
	[tilespmem:s9+$0x0] =	vst v10  }
0xdd: {  	v6 =	vld [tilespmem:s14+$0xFFFFFFE0];
	v3 =	vmax.f32 v3, $0.0e+00;
	v4 =	vadd.f32 v4, v1  }
0xde: {  	v10 =	vld [tilespmem:s12+$0xFFFFFFE0];
	v9 =	vadd.f32 v9, v11;
	v11 =	vadd.f32 v13, v1;
	[tilespmem:s9+$0x10] =	vst v3  }
0xdf: {  	v12 =	vld [tilespmem:s14+$0xFFFFFFF0];
	v3 =	vmax.f32 v4, $0.0e+00;
	v2 =	vmov v5  }
0xe0: {  	v4 =	vld [tilespmem:s12+$0xFFFFFFF0];
	v5 =	vadd.f32 v9, v1;
	v9 =	vmax.f32 v11, $0.0e+00;
	[tilespmem:s9+$0x20] =	vst v3  }
0xe1: {  	v3 =	vadd.f32 v7, v8;
	v11 =	vld [tilespmem:s14+$0x0];
	[tilespmem:s9+$0xFFFFFFC0] =	vst v9;
	s9 =	smov.u32 s14  }
0xe2: {  	v13 =	vld [tilespmem:s12+$0x0];
	v5 =	vmax.f32 v5, $0.0e+00  }
.Ltmp2:
0xe3: {  	v7 =	vadd.f32 v3, v1;
	v6 =	vadd.f32 v10, v6;
	v3 =	vld [tilespmem:s14+$0x10];
	[tilespmem:s14+$0x30] =	vst v5;
	(pc) =	sbr.rel @p0 .LBB2_6-.Ltmp2, $4  }
0xe4: {  	v5 =	vld [tilespmem:s12+$0x10]  }
0xe5: {  	v7 =	vmax.f32 v7, $0.0e+00;
	v8 =	vadd.f32 v6, v1;
	v10 =	vadd.f32 v4, v12;
	v4 =	vld [tilespmem:s14+$0x20]  }
0xe6: {  	[tilespmem:s14+$0xFFFFFFD0] =	vst v7;
	v7 =	vld [tilespmem:s12+$0x20]  }
0xe7: {  	s14 =	sadd.s32 $0x80, s14;
	v6 =	vld [tilespmem:s9+$0xFFFFFFC0];
	v9 =	vmax.f32 v8, $0.0e+00;
	v8 =	vadd.f32 v10, v1;
	v10 =	vadd.f32 v13, v11  }
0xe8: {  	_ =	sdelay $0x1  }
0xe9: {  	v3 =	vadd.f32 v5, v3  }
0xea: {  	v62 =	vadd.f32 v10, v1;
	v4 =	vadd.f32 v7, v4  }
0xeb: {  	[tilespmem:s9+$0xFFFFFFE0] =	vst v9;
	v63 =	vmax.f32 v8, $0.0e+00;
	v3 =	vadd.f32 v3, v1;
	v2 =	vadd.f32 v2, v6  }
0xec: {  	[tilespmem:s9+$0xFFFFFFF0] =	vst v63;
	v5 =	vmax.f32 v62, $0.0e+00;
	v4 =	vadd.f32 v4, v1  }
0xed: {  	[tilespmem:s9+$0x0] =	vst v5;
	v3 =	vmax.f32 v3, $0.0e+00;
	v1 =	vadd.f32 v2, v1  }
0xee: {  	[tilespmem:s9+$0x10] =	vst v3;
	v2 =	vmax.f32 v4, $0.0e+00  }
0xef: {  	v1 =	vmax.f32 v1, $0.0e+00;
	[tilespmem:s9+$0x20] =	vst v2  }
0xf0: {  	[tilespmem:s9+$0xFFFFFFC0] =	vst v1  }
0xf1: {  	[spmem:s5] =	stream.indirect.scatter.add.f32 [tilespmem:s24], [sflag:$0x2], $0x10, s26, s30, $0xb8;
	[tilespmem:$0x14110] =	vst v63  }
0xf2: {  	s14 =	simm.s32 $0xE880;
	s12 =	simm.s32 $0x5000  }
0xf3: {  	[spmem:s5] =	stream.indirect.scatter.add.f32 [tilespmem:s12], [sflag:$0x2], $0x10, s14, s30, $0xb8;
	[tilespmem:$0x14110] =	vst v63  }
0xf4: {  	s13 =	simm.s32 $0xE900;
	s14 =	simm.s32 $0x5800  }
0xf5: {  	[spmem:s5] =	stream.indirect.scatter.add.f32 [tilespmem:s14], [sflag:$0x2], $0x10, s13, s30, $0xb8;
	[tilespmem:$0x14110] =	vst v63  }
0xf6: {  	s13 =	simm.s32 $0xE980;
	s14 =	simm.s32 $0x6000  }
0xf7: {  	[spmem:s5] =	stream.indirect.scatter.add.f32 [tilespmem:s14], [sflag:$0x2], $0x10, s13, s30, $0xb8;
	[tilespmem:$0x14110] =	vst v63  }
0xf8: {  	s13 =	simm.s32 $0xEA00;
	s14 =	simm.s32 $0x6800  }
0xf9: {  	[spmem:s5] =	stream.indirect.scatter.add.f32 [tilespmem:s14], [sflag:$0x2], $0x10, s13, s30, $0xb8;
	[tilespmem:$0x14110] =	vst v63  }
0xfa: {  	s13 =	simm.s32 $0xEA80;
	s14 =	simm.s32 $0x7000  }
0xfb: {  	[spmem:s5] =	stream.indirect.scatter.add.f32 [tilespmem:s14], [sflag:$0x2], $0x10, s13, s30, $0xb8;
	[tilespmem:$0x14110] =	vst v63  }
0xfc: {  	s13 =	simm.s32 $0xEB00;
	s14 =	simm.s32 $0x7800  }
0xfd: {  	[spmem:s5] =	stream.indirect.scatter.add.f32 [tilespmem:s14], [sflag:$0x2], $0x10, s13, s30, $0xb8;
	[tilespmem:$0x14110] =	vst v63  }
0xfe: {  	s13 =	simm.s32 $0xEB80;
	s14 =	simm.s32 $0x8000  }
0xff: {  	[spmem:s5] =	stream.indirect.scatter.add.f32 [tilespmem:s14], [sflag:$0x2], $0x10, s13, s30, $0xb8;
	[tilespmem:$0x14110] =	vst v63  }
0x100: {  	s13 =	simm.s32 $0xEC00;
	s14 =	simm.s32 $0x8800  }
0x101: {  	[spmem:s5] =	stream.indirect.scatter.add.f32 [tilespmem:s14], [sflag:$0x2], $0x10, s13, s30, $0xb8;
	[tilespmem:$0x14110] =	vst v63  }
0x102: {  	s13 =	simm.s32 $0xEC80;
	s14 =	simm.s32 $0x9000  }
0x103: {  	[spmem:s5] =	stream.indirect.scatter.add.f32 [tilespmem:s14], [sflag:$0x2], $0x10, s13, s30, $0xb8;
	[tilespmem:$0x14110] =	vst v63  }
0x104: {  	_ =	swait.ge [sflag:s4], $0x800  }
0x105: {  	[sflag:s4] =	ssyncset.done $0x0  }
0x106: {  	[sflag:s4] =	ssyncadd.s32 $0xFFFFF800  }
0x107: {  	_ =	swait.ge [sflag:s4], $0x800  }
0x108: {  	[sflag:s4] =	ssyncset.done $0x0  }
0x109: {  	[sflag:s4] =	ssyncadd.s32 $0xFFFFF800  }
0x10a: {  	_ =	swait.ge [sflag:s4], $0x800  }
0x10b: {  	[sflag:s4] =	ssyncset.done $0x0  }
0x10c: {  	[sflag:s4] =	ssyncadd.s32 $0xFFFFF800  }
0x10d: {  	_ =	swait.ge [sflag:s4], $0x800  }
0x10e: {  	[sflag:s4] =	ssyncset.done $0x0  }
0x10f: {  	[sflag:s4] =	ssyncadd.s32 $0xFFFFF800  }
0x110: {  	_ =	swait.ge [sflag:s4], $0x800  }
0x111: {  	[sflag:s4] =	ssyncset.done $0x0  }
0x112: {  	[sflag:s4] =	ssyncadd.s32 $0xFFFFF800  }
0x113: {  	_ =	swait.ge [sflag:s4], $0x800  }
0x114: {  	[sflag:s4] =	ssyncset.done $0x0  }
0x115: {  	[sflag:s4] =	ssyncadd.s32 $0xFFFFF800  }
0x116: {  	_ =	swait.ge [sflag:s4], $0x800  }
0x117: {  	[sflag:s4] =	ssyncset.done $0x0  }
0x118: {  	[sflag:s4] =	ssyncadd.s32 $0xFFFFF800  }
0x119: {  	_ =	swait.ge [sflag:s4], $0x800  }
0x11a: {  	[sflag:s4] =	ssyncset.done $0x0  }
0x11b: {  	[sflag:s4] =	ssyncadd.s32 $0xFFFFF800  }
0x11c: {  	_ =	swait.ge [sflag:s4], $0x800  }
0x11d: {  	[sflag:s4] =	ssyncset.done $0x0  }
0x11e: {  	[sflag:s4] =	ssyncadd.s32 $0xFFFFF800  }
0x11f: {  	_ =	swait.ge [sflag:s4], $0x800  }
0x120: {  	[sflag:s4] =	ssyncset.done $0x0  }
0x121: {  	s13 =	stileid.u32;
	[sflag:s4] =	ssyncadd.s32 $0xFFFFF800  }
0x122: {  	s9 =	sshll.u32 s13, $0x6;
	[bflag:$0x0] =	sbarrier.arrive $0xFFFF  }
0x123: {  	s14 =	sshrl.u32 s11, $0x3;
	s9 =	sor.u32 $0x1C04, s9;
	s13 =	rddreg [dreg:$0xc]  }
0x124: {  	[hbm:s13], [sflag:s9] =	dma.local [spmem:s14], $0x80  }
0x125: {  	_ =	swait.ge [sflag:s25], $0x80  }
0x126: {  	s8 =	sadd.s32 $0x1, s8;
	s14 =	rddreg [dreg:$0xd]  }
0x127: {  	p0 =	sne.s32 s8, s14  }
.Ltmp3:
0x128: {  	_ = 	snop;
	(pc) =	sbr.rel @p0 .LBB2_1-.Ltmp3, $3  }
0x129: {  	_ =	sdelay $0x1  }
0x12a: {  	[sflag:s25] =	ssyncset.done $0x0  }
0x12b: {  	[sflag:s25] =	ssyncadd.s32 $0xFFFFFF80  }
0x12c: {  	_ =	sfence.sel $0x180000  }
0x12d: {  	[bflag:$0x0] =	sbarrier.arrive $0xFFFF  }
0x12e: {  	_ =	strace $0x90000047  }
0x12f: {  	s0 =	stileid.u32;
	[bflag:$0x2] =	sbarrier.arrive $0xFFFF  }
0x130: {  	p0 =	sne.s32 s0, $0x0;
	s0 =	rddreg [dreg:$0x7]  }
0x131: {  	s0 =	sadd.s32 @!p0 $0x100000, s0  }
0x132: {  	[sflag:s0] =	ssyncadd.tile.s32 @!p0 $0x1;
	_ =	shalt  }
.Lfunc_end2:
_tile_overlayer_lowered:
.L_overlay_start_2:
0x133: {  	(tag) =	ssettag $0x2  }
0x134: {  	s0 =	rddreg [dreg:$0x0];
	s2 =	stileid.u32  }
0x135: {  	s1 =	rddreg [dreg:$0x1];
	p0 =	sne.s32 s2, $0x0  }
0x136: {  	s3 =	rddreg [dreg:$0x2];
	[bflag:$0x3] =	sbarrier.arrive $0xFFFF;
	s2 =	simm.s32 @!p0 $0x1C04  }
0x137: {  	[timem:s3], [sflag:s2] =	dma.local @!p0 [hbm:s0], s1  }
0x138: {  	s0 =	simm.s32 @!p0 $0x4  }
0x139: {  	_ =	swait.ge @!p0 [sflag:s0], s1  }
0x13a: {  	s1 =	ssub.s32 @!p0 $0x0, s1;
	[sflag:s0] =	ssyncset.done @!p0 $0x0  }
0x13b: {  	[sflag:s0] =	ssyncadd.s32 @!p0 s1  }
0x13c: {  	[bflag:$0x3] =	sbarrier.arrive $0xFFFF  }
0x13d: {  	_ =	shalt  }

</sc_bundles>
